<compile_context>
chip_gen: v7x
topology: tpu7x:2x2x1
jax: 0.10.2.dev20260603
libtpu: 0.0.44.dev20260713+nightly
codegen_flags: <defaults>
</compile_context>

<pallas_src>
import functools

import jax
import jax.numpy as jnp
from jax import lax
from jax.experimental import pallas as pl
from jax.experimental.pallas import tpu as pltpu
from jax.experimental.pallas import tpu_sc as plsc

N_QUERY = 4
B = 65536
N_VERTS = 1024

_NC = 2
_NS = 16
_NW = _NC * _NS
_L = 16
_OUT_W = N_QUERY * 3

_B_SC = 26624
_B_TC = B - _B_SC
_TC_R = 1024



def _insert(carry, d, jv):
    m1, m2, m3, m4, i1, i2, i3, i4 = carry
    c1 = d > m1
    c2 = d > m2
    c3 = d > m3
    c4 = d > m4
    dm1 = jnp.minimum(m1, d)
    nm1 = jnp.maximum(m1, d)
    dm2 = jnp.minimum(m2, dm1)
    nm2 = jnp.maximum(m2, dm1)
    dm3 = jnp.minimum(m3, dm2)
    nm3 = jnp.maximum(m3, dm2)
    nm4 = jnp.maximum(m4, dm3)
    t1 = jnp.where(c1, i1, jv)
    ni1 = jnp.where(c1, jv, i1)
    t2 = jnp.where(c2, i2, t1)
    ni2 = jnp.where(c2, t1, i2)
    t3 = jnp.where(c3, i3, t2)
    ni3 = jnp.where(c3, t2, i3)
    ni4 = jnp.where(c4, t3, i4)
    return (nm1, nm2, nm3, nm4, ni1, ni2, ni3, ni4)


def _topk_chunk(chunk, carry, dxv, dyv, dzv, vx_v, vy_v, vz_v):
    jbase = chunk * _L
    jb = jnp.zeros((_L,), jnp.int32) + jbase
    for t in range(_L):
        off = (jbase + t) * _L
        d = dxv * vx_v[pl.ds(off, _L)]
        d = d + dyv * vy_v[pl.ds(off, _L)]
        d = d + dzv * vz_v[pl.ds(off, _L)]
        carry = _insert(carry, d, jb + t)
    return carry


def _sc_kernel(dx_h, dy_h, dz_h, vxb_h, vyb_h, vzb_h, vx_h, vy_h, vz_h, out_h,
               dx_v, dy_v, dz_v, vxb_v, vyb_v, vzb_v, vx_v, vy_v, vz_v, out_v,
               *, span):
    wid = lax.axis_index("s") * _NC + lax.axis_index("c")
    base = _B_TC + wid * span
    groups = span // _L
    pltpu.sync_copy(dx_h.at[pl.ds(base, span)], dx_v)
    pltpu.sync_copy(dy_h.at[pl.ds(base, span)], dy_v)
    pltpu.sync_copy(dz_h.at[pl.ds(base, span)], dz_v)
    pltpu.sync_copy(vxb_h, vxb_v)
    pltpu.sync_copy(vyb_h, vyb_v)
    pltpu.sync_copy(vzb_h, vzb_v)
    pltpu.sync_copy(vx_h, vx_v)
    pltpu.sync_copy(vy_h, vy_v)
    pltpu.sync_copy(vz_h, vz_v)

    iota = lax.iota(jnp.int32, _L)
    iota12 = iota * _OUT_W
    neg_inf = jnp.full((_L,), -jnp.inf, jnp.float32)
    zeros_i = jnp.zeros((_L,), jnp.int32)

    def group_body(g, _):
        dxv = dx_v[pl.ds(g * _L, _L)]
        dyv = dy_v[pl.ds(g * _L, _L)]
        dzv = dz_v[pl.ds(g * _L, _L)]
        init = (neg_inf, neg_inf, neg_inf, neg_inf,
                zeros_i, zeros_i, zeros_i, zeros_i)
        body = functools.partial(_topk_chunk, dxv=dxv, dyv=dyv, dzv=dzv,
                                 vx_v=vxb_v, vy_v=vyb_v, vz_v=vzb_v)
        res = lax.fori_loop(0, N_VERTS // _L, body, init)
        idxs = res[4:]
        gbase = g * (_L * _OUT_W)
        for s in range(N_QUERY):
            i_s = idxs[s]
            gx = plsc.load_gather(vx_v, [i_s])
            gy = plsc.load_gather(vy_v, [i_s])
            gz = plsc.load_gather(vz_v, [i_s])
            addr = iota12 + (gbase + s * 3)
            plsc.store_scatter(out_v, [addr], gx)
            plsc.store_scatter(out_v, [addr + 1], gy)
            plsc.store_scatter(out_v, [addr + 2], gz)
        return 0

    lax.fori_loop(0, groups, group_body, 0)
    pltpu.sync_copy(out_v, out_h.at[pl.ds(wid * span * _OUT_W, span * _OUT_W)])


def _run_sc(dx, dy, dz, vxb, vyb, vzb, vx, vy, vz):
    span = _B_SC // _NW
    mesh = plsc.VectorSubcoreMesh(core_axis_name="c", subcore_axis_name="s")
    run = pl.kernel(
        functools.partial(_sc_kernel, span=span),
        out_type=jax.ShapeDtypeStruct((_B_SC * _OUT_W,), jnp.float32),
        mesh=mesh,
        compiler_params=pltpu.CompilerParams(needs_layout_passes=False),
        scratch_types=[
            pltpu.VMEM((span,), jnp.float32),
            pltpu.VMEM((span,), jnp.float32),
            pltpu.VMEM((span,), jnp.float32),
            pltpu.VMEM((N_VERTS * _L,), jnp.float32),
            pltpu.VMEM((N_VERTS * _L,), jnp.float32),
            pltpu.VMEM((N_VERTS * _L,), jnp.float32),
            pltpu.VMEM((N_VERTS,), jnp.float32),
            pltpu.VMEM((N_VERTS,), jnp.float32),
            pltpu.VMEM((N_VERTS,), jnp.float32),
            pltpu.VMEM((span * _OUT_W,), jnp.float32),
        ],
    )
    return run(dx, dy, dz, vxb, vyb, vzb, vx, vy, vz)



def _tc_kernel(d_ref, vt_ref, verts6_ref, out_ref):
    d = d_ref[0]
    vt = vt_ref[...]
    verts6 = verts6_ref[...]
    dots = lax.dot_general(d, vt, (((1,), (0,)), ((), ())),
                           preferred_element_type=jnp.float32)
    iota = lax.broadcasted_iota(jnp.int32, (_TC_R, N_VERTS), 1)
    sels = []
    for _ in range(N_QUERY):
        mx = jnp.max(dots, axis=1, keepdims=True)
        eq = dots == mx
        cand = jnp.where(eq, iota, N_VERTS)
        idx = jnp.min(cand, axis=1, keepdims=True)
        oh = iota == idx
        sel6 = lax.dot_general(oh.astype(jnp.float32), verts6,
                               (((1,), (0,)), ((), ())),
                               preferred_element_type=jnp.float32)
        sels.append(sel6[:, 0:3] + sel6[:, 3:6])
        dots = jnp.where(oh, -jnp.inf, dots)
    out_ref[...] = jnp.concatenate(sels, axis=1)


def _run_tc(dirs3, vtb, verts6):
    nblk = _B_TC // _TC_R
    return pl.pallas_call(
        _tc_kernel,
        grid=(nblk,),
        in_specs=[
            pl.BlockSpec((1, _TC_R, 3), lambda i: (i, 0, 0)),
            pl.BlockSpec((3, N_VERTS), lambda i: (0, 0)),
            pl.BlockSpec((N_VERTS, 6), lambda i: (0, 0)),
        ],
        out_specs=pl.BlockSpec((_TC_R, _OUT_W), lambda i: (i, 0)),
        out_shape=jax.ShapeDtypeStruct((B, _OUT_W), jnp.float32),
    )(dirs3, vtb, verts6)



def _round_bf16(x):
    u = lax.bitcast_convert_type(x, jnp.uint32)
    u = (u + jnp.uint32(0x7FFF) + ((u >> 16) & jnp.uint32(1))) & jnp.uint32(0xFFFF0000)
    return lax.bitcast_convert_type(u, jnp.float32)


def kernel(directions, vertices):
    dirs_b = _round_bf16(directions)
    verts_b = _round_bf16(vertices)

    dx = dirs_b[:, 0]
    dy = dirs_b[:, 1]
    dz = dirs_b[:, 2]
    vb_wide = jnp.broadcast_to(
        verts_b.T[:, :, None], (3, N_VERTS, _L)).reshape(3, N_VERTS * _L)
    sc_out = _run_sc(dx, dy, dz,
                     vb_wide[0], vb_wide[1], vb_wide[2],
                     vertices[:, 0], vertices[:, 1], vertices[:, 2])
    dirs3 = dirs_b[:_B_TC].reshape(_B_TC // _TC_R, _TC_R, 3)
    verts6 = jnp.concatenate([verts_b, vertices - verts_b], axis=1)
    tc_out = _run_tc(dirs3, verts_b.T, verts6)
    out = lax.dynamic_update_slice(
        tc_out, sc_out.reshape(_B_SC, _OUT_W), (_B_TC, 0))
    return out.reshape(B, N_QUERY, 3)

# --- scband reference (transcript-rebuilt; emitter-appended) ---
"""Pipeline reference for scband-sparse-vertex-convex-collision-geometry-27839978013348 (READ-ONLY COPY).

The authoritative reference and input builder live on the scoring server;
editing this copy changes nothing except your own understanding.
"""

import jax, jax.numpy as jnp
import numpy as np

N_QUERY = 4
B = 65536
N_VERTS = 1024


def setup_inputs(seed: int = 0) -> dict:
    key = jax.random.key(seed)
    k1, k2 = jax.random.split(key)
    directions = jax.random.normal(k1, (B, 3), dtype=jnp.float32)
    directions = directions / jnp.linalg.norm(directions, axis=-1, keepdims=True)
    # Learned vertex set of the convex geometry (get_vertices() returns this
    # set broadcast over the batch for a polytope-like subclass).
    vertices = jax.random.normal(k2, (N_VERTS, 3), dtype=jnp.float32)
    return {"directions": directions, "vertices": vertices}


def reference(directions, vertices):
    # support_points(): brute-force support over the sparse vertex set.
    # directions: (B, 3); vertices: (N_v, 3) shared across batch.
    # dots = <direction, vertex> for every pair  -> (B, N_v)
    dots = directions @ vertices.T
    # top n_query vertices per direction (torch uses sorted=False; value set
    # is identical, ordering is unspecified there so sorted order is fine)
    _, idx = jax.lax.top_k(dots, N_QUERY)  # (B, n_query)
    # gather witness vertices: equivalent to vertices[batch_range, selection]
    top_vertices = jnp.take(vertices, idx, axis=0)  # (B, n_query, 3)
    # hint is None -> return queries directly, shape (B, n_query, 3)
    return top_vertices

if __name__ == "__main__":
    import jax
    _d = setup_inputs()
    print(jax.jit(kernel)(*tuple(_d.values())))

</pallas_src>

<mosaic_0001>
#map = affine_map<(d0, d1) -> (0)>
module attributes {stable_mosaic.version = 14 : i64} {
  func.func @_sc_kernel(%arg0: i32, %arg1: i32, %arg2: memref<65536xf32, #tpu.memory_space<hbm>>, %arg3: memref<65536xf32, #tpu.memory_space<hbm>>, %arg4: memref<65536xf32, #tpu.memory_space<hbm>>, %arg5: memref<16384xf32, #tpu.memory_space<hbm>>, %arg6: memref<16384xf32, #tpu.memory_space<hbm>>, %arg7: memref<16384xf32, #tpu.memory_space<hbm>>, %arg8: memref<1024xf32, #tpu.memory_space<hbm>>, %arg9: memref<1024xf32, #tpu.memory_space<hbm>>, %arg10: memref<1024xf32, #tpu.memory_space<hbm>>, %arg11: memref<319488xf32, #tpu.memory_space<hbm>>, %arg12: memref<832xf32, #tpu.memory_space<vmem>>, %arg13: memref<832xf32, #tpu.memory_space<vmem>>, %arg14: memref<832xf32, #tpu.memory_space<vmem>>, %arg15: memref<16384xf32, #tpu.memory_space<vmem>>, %arg16: memref<16384xf32, #tpu.memory_space<vmem>>, %arg17: memref<16384xf32, #tpu.memory_space<vmem>>, %arg18: memref<1024xf32, #tpu.memory_space<vmem>>, %arg19: memref<1024xf32, #tpu.memory_space<vmem>>, %arg20: memref<1024xf32, #tpu.memory_space<vmem>>, %arg21: memref<9984xf32, #tpu.memory_space<vmem>>) attributes {dimension_semantics = [#tpu.dimension_semantics<core_parallel>, #tpu.dimension_semantics<subcore_parallel>], iteration_bounds = array<i64: 2, 16>, scalar_prefetch = 0 : i64, scratch_operands = 10 : i64, tpu.core_type = #tpu.core_type<sc_vector_subcore>, window_params = [{transform_indices = #map}, {transform_indices = #map}, {transform_indices = #map}, {transform_indices = #map}, {transform_indices = #map}, {transform_indices = #map}, {transform_indices = #map}, {transform_indices = #map}, {transform_indices = #map}, {transform_indices = #map}]} {
    %mul3A = arith.constant 2 : i32
    %mul3A_0 = arith.muli %arg1, %mul3A : i32
    %add3A = arith.addi %mul3A_0, %arg0 : i32
    %mul3A_1 = arith.constant 832 : i32
    %mul3A_2 = arith.muli %add3A, %mul3A_1 : i32
    %add3A_3 = arith.constant 38912 : i32
    %add3A_4 = arith.addi %add3A_3, %mul3A_2 : i32
    "tpu.region"() ({
      %run_scoped3A = tpu.sem_alloc : memref<!tpu.dma_semaphore, #tpu.memory_space<semaphore_mem>>
      %dma_start3A = tpu.memref_slice %arg2[%add3A_4] : memref<65536xf32, #tpu.memory_space<hbm>> -> memref<832xf32, #tpu.memory_space<hbm>>
      %dma_start3A_21 = tpu.memref_slice %arg2[%add3A_4] : memref<65536xf32, #tpu.memory_space<hbm>> -> memref<832xf32, #tpu.memory_space<hbm>>
      tpu.enqueue_dma source(%dma_start3A_21 : memref<832xf32, #tpu.memory_space<hbm>>) target(%arg12 : memref<832xf32, #tpu.memory_space<vmem>>) target_semaphore(%run_scoped3A : memref<!tpu.dma_semaphore, #tpu.memory_space<semaphore_mem>>)
      %dma_wait3A = tpu.memref_slice %arg2[%add3A_4] : memref<65536xf32, #tpu.memory_space<hbm>> -> memref<832xf32, #tpu.memory_space<hbm>>
      %dma_wait3A_22 = tpu.memref_slice %arg2[%add3A_4] : memref<65536xf32, #tpu.memory_space<hbm>> -> memref<832xf32, #tpu.memory_space<hbm>>
      tpu.wait_dma2 semaphore(%run_scoped3A : memref<!tpu.dma_semaphore, #tpu.memory_space<semaphore_mem>>) src(%dma_wait3A_22 : memref<832xf32, #tpu.memory_space<hbm>>) dst(%arg12 : memref<832xf32, #tpu.memory_space<vmem>>)
      tpu.yield
    }) : () -> ()
    "tpu.region"() ({
      %run_scoped3A = tpu.sem_alloc : memref<!tpu.dma_semaphore, #tpu.memory_space<semaphore_mem>>
      %dma_start3A = tpu.memref_slice %arg3[%add3A_4] : memref<65536xf32, #tpu.memory_space<hbm>> -> memref<832xf32, #tpu.memory_space<hbm>>
      %dma_start3A_21 = tpu.memref_slice %arg3[%add3A_4] : memref<65536xf32, #tpu.memory_space<hbm>> -> memref<832xf32, #tpu.memory_space<hbm>>
      tpu.enqueue_dma source(%dma_start3A_21 : memref<832xf32, #tpu.memory_space<hbm>>) target(%arg13 : memref<832xf32, #tpu.memory_space<vmem>>) target_semaphore(%run_scoped3A : memref<!tpu.dma_semaphore, #tpu.memory_space<semaphore_mem>>)
      %dma_wait3A = tpu.memref_slice %arg3[%add3A_4] : memref<65536xf32, #tpu.memory_space<hbm>> -> memref<832xf32, #tpu.memory_space<hbm>>
      %dma_wait3A_22 = tpu.memref_slice %arg3[%add3A_4] : memref<65536xf32, #tpu.memory_space<hbm>> -> memref<832xf32, #tpu.memory_space<hbm>>
      tpu.wait_dma2 semaphore(%run_scoped3A : memref<!tpu.dma_semaphore, #tpu.memory_space<semaphore_mem>>) src(%dma_wait3A_22 : memref<832xf32, #tpu.memory_space<hbm>>) dst(%arg13 : memref<832xf32, #tpu.memory_space<vmem>>)
      tpu.yield
    }) : () -> ()
    "tpu.region"() ({
      %run_scoped3A = tpu.sem_alloc : memref<!tpu.dma_semaphore, #tpu.memory_space<semaphore_mem>>
      %dma_start3A = tpu.memref_slice %arg4[%add3A_4] : memref<65536xf32, #tpu.memory_space<hbm>> -> memref<832xf32, #tpu.memory_space<hbm>>
      %dma_start3A_21 = tpu.memref_slice %arg4[%add3A_4] : memref<65536xf32, #tpu.memory_space<hbm>> -> memref<832xf32, #tpu.memory_space<hbm>>
      tpu.enqueue_dma source(%dma_start3A_21 : memref<832xf32, #tpu.memory_space<hbm>>) target(%arg14 : memref<832xf32, #tpu.memory_space<vmem>>) target_semaphore(%run_scoped3A : memref<!tpu.dma_semaphore, #tpu.memory_space<semaphore_mem>>)
      %dma_wait3A = tpu.memref_slice %arg4[%add3A_4] : memref<65536xf32, #tpu.memory_space<hbm>> -> memref<832xf32, #tpu.memory_space<hbm>>
      %dma_wait3A_22 = tpu.memref_slice %arg4[%add3A_4] : memref<65536xf32, #tpu.memory_space<hbm>> -> memref<832xf32, #tpu.memory_space<hbm>>
      tpu.wait_dma2 semaphore(%run_scoped3A : memref<!tpu.dma_semaphore, #tpu.memory_space<semaphore_mem>>) src(%dma_wait3A_22 : memref<832xf32, #tpu.memory_space<hbm>>) dst(%arg14 : memref<832xf32, #tpu.memory_space<vmem>>)
      tpu.yield
    }) : () -> ()
    "tpu.region"() ({
      %run_scoped3A = tpu.sem_alloc : memref<!tpu.dma_semaphore, #tpu.memory_space<semaphore_mem>>
      tpu.enqueue_dma source(%arg5 : memref<16384xf32, #tpu.memory_space<hbm>>) target(%arg15 : memref<16384xf32, #tpu.memory_space<vmem>>) target_semaphore(%run_scoped3A : memref<!tpu.dma_semaphore, #tpu.memory_space<semaphore_mem>>)
      tpu.wait_dma2 semaphore(%run_scoped3A : memref<!tpu.dma_semaphore, #tpu.memory_space<semaphore_mem>>) src(%arg5 : memref<16384xf32, #tpu.memory_space<hbm>>) dst(%arg15 : memref<16384xf32, #tpu.memory_space<vmem>>)
      tpu.yield
    }) : () -> ()
    "tpu.region"() ({
      %run_scoped3A = tpu.sem_alloc : memref<!tpu.dma_semaphore, #tpu.memory_space<semaphore_mem>>
      tpu.enqueue_dma source(%arg6 : memref<16384xf32, #tpu.memory_space<hbm>>) target(%arg16 : memref<16384xf32, #tpu.memory_space<vmem>>) target_semaphore(%run_scoped3A : memref<!tpu.dma_semaphore, #tpu.memory_space<semaphore_mem>>)
      tpu.wait_dma2 semaphore(%run_scoped3A : memref<!tpu.dma_semaphore, #tpu.memory_space<semaphore_mem>>) src(%arg6 : memref<16384xf32, #tpu.memory_space<hbm>>) dst(%arg16 : memref<16384xf32, #tpu.memory_space<vmem>>)
      tpu.yield
    }) : () -> ()
    "tpu.region"() ({
      %run_scoped3A = tpu.sem_alloc : memref<!tpu.dma_semaphore, #tpu.memory_space<semaphore_mem>>
      tpu.enqueue_dma source(%arg7 : memref<16384xf32, #tpu.memory_space<hbm>>) target(%arg17 : memref<16384xf32, #tpu.memory_space<vmem>>) target_semaphore(%run_scoped3A : memref<!tpu.dma_semaphore, #tpu.memory_space<semaphore_mem>>)
      tpu.wait_dma2 semaphore(%run_scoped3A : memref<!tpu.dma_semaphore, #tpu.memory_space<semaphore_mem>>) src(%arg7 : memref<16384xf32, #tpu.memory_space<hbm>>) dst(%arg17 : memref<16384xf32, #tpu.memory_space<vmem>>)
      tpu.yield
    }) : () -> ()
    "tpu.region"() ({
      %run_scoped3A = tpu.sem_alloc : memref<!tpu.dma_semaphore, #tpu.memory_space<semaphore_mem>>
      tpu.enqueue_dma source(%arg8 : memref<1024xf32, #tpu.memory_space<hbm>>) target(%arg18 : memref<1024xf32, #tpu.memory_space<vmem>>) target_semaphore(%run_scoped3A : memref<!tpu.dma_semaphore, #tpu.memory_space<semaphore_mem>>)
      tpu.wait_dma2 semaphore(%run_scoped3A : memref<!tpu.dma_semaphore, #tpu.memory_space<semaphore_mem>>) src(%arg8 : memref<1024xf32, #tpu.memory_space<hbm>>) dst(%arg18 : memref<1024xf32, #tpu.memory_space<vmem>>)
      tpu.yield
    }) : () -> ()
    "tpu.region"() ({
      %run_scoped3A = tpu.sem_alloc : memref<!tpu.dma_semaphore, #tpu.memory_space<semaphore_mem>>
      tpu.enqueue_dma source(%arg9 : memref<1024xf32, #tpu.memory_space<hbm>>) target(%arg19 : memref<1024xf32, #tpu.memory_space<vmem>>) target_semaphore(%run_scoped3A : memref<!tpu.dma_semaphore, #tpu.memory_space<semaphore_mem>>)
      tpu.wait_dma2 semaphore(%run_scoped3A : memref<!tpu.dma_semaphore, #tpu.memory_space<semaphore_mem>>) src(%arg9 : memref<1024xf32, #tpu.memory_space<hbm>>) dst(%arg19 : memref<1024xf32, #tpu.memory_space<vmem>>)
      tpu.yield
    }) : () -> ()
    "tpu.region"() ({
      %run_scoped3A = tpu.sem_alloc : memref<!tpu.dma_semaphore, #tpu.memory_space<semaphore_mem>>
      tpu.enqueue_dma source(%arg10 : memref<1024xf32, #tpu.memory_space<hbm>>) target(%arg20 : memref<1024xf32, #tpu.memory_space<vmem>>) target_semaphore(%run_scoped3A : memref<!tpu.dma_semaphore, #tpu.memory_space<semaphore_mem>>)
      tpu.wait_dma2 semaphore(%run_scoped3A : memref<!tpu.dma_semaphore, #tpu.memory_space<semaphore_mem>>) src(%arg10 : memref<1024xf32, #tpu.memory_space<hbm>>) dst(%arg20 : memref<1024xf32, #tpu.memory_space<vmem>>)
      tpu.yield
    }) : () -> ()
    %iota3A = tpu.iota {dimensions = array<i32: 0>} : vector<16xi32>
    %mul3A_5 = arith.constant 12 : i32
    %mul3A_6 = vector.broadcast %mul3A_5 : i32 to vector<16xi32>
    %mul3A_7 = arith.muli %iota3A, %mul3A_6 : vector<16xi32>
    %broadcast_in_dim3A = arith.constant 0xFF800000 : f32
    %broadcast_in_dim3A_8 = vector.broadcast %broadcast_in_dim3A : f32 to vector<16xf32>
    %broadcast_in_dim3A_9 = arith.constant 0 : i32
    %broadcast_in_dim3A_10 = vector.broadcast %broadcast_in_dim3A_9 : i32 to vector<16xi32>
    %scan3A = arith.constant 0 : i32
    %scan3A_11 = arith.constant 0 : i32
    %scan3A_12 = arith.constant 52 : i32
    %scan3A_13 = arith.addi %scan3A_11, %scan3A_12 : i32
    %scan3A_14 = arith.constant 1 : i32
    %scan3A_15 = scf.for %scan3A_21 = %scan3A_11 to %scan3A_13 step %scan3A_14 iter_args(%scan3A_22 = %scan3A) -> (i32)  : i32 {
      %mul3A_23 = arith.constant 16 : i32
      %mul3A_24 = arith.muli %scan3A_21, %mul3A_23 : i32
      %get3A = arith.index_cast %mul3A_24 : i32 to index
      %get3A_25 = tpu.vector_load %arg12[%get3A] {strides = array<i32>} : memref<832xf32, #tpu.memory_space<vmem>>, vector<16xf32>,
      %mul3A_26 = arith.constant 16 : i32
      %mul3A_27 = arith.muli %scan3A_21, %mul3A_26 : i32
      %get3A_28 = arith.index_cast %mul3A_27 : i32 to index
      %get3A_29 = tpu.vector_load %arg13[%get3A_28] {strides = array<i32>} : memref<832xf32, #tpu.memory_space<vmem>>, vector<16xf32>,
      %mul3A_30 = arith.constant 16 : i32
      %mul3A_31 = arith.muli %scan3A_21, %mul3A_30 : i32
      %get3A_32 = arith.index_cast %mul3A_31 : i32 to index
      %get3A_33 = tpu.vector_load %arg14[%get3A_32] {strides = array<i32>} : memref<832xf32, #tpu.memory_space<vmem>>, vector<16xf32>,
      %scan3A_34 = arith.constant 0 : i32
      %scan3A_35 = arith.constant 64 : i32
      %scan3A_36 = arith.addi %scan3A_34, %scan3A_35 : i32
      %scan3A_37 = arith.constant 1 : i32
      %scan3A_38:8 = scf.for %scan3A_94 = %scan3A_34 to %scan3A_36 step %scan3A_37 iter_args(%scan3A_95 = %broadcast_in_dim3A_8, %scan3A_96 = %broadcast_in_dim3A_8, %scan3A_97 = %broadcast_in_dim3A_8, %scan3A_98 = %broadcast_in_dim3A_8, %scan3A_99 = %broadcast_in_dim3A_10, %scan3A_100 = %broadcast_in_dim3A_10, %scan3A_101 = %broadcast_in_dim3A_10, %scan3A_102 = %broadcast_in_dim3A_10) -> (vector<16xf32>, vector<16xf32>, vector<16xf32>, vector<16xf32>, vector<16xi32>, vector<16xi32>, vector<16xi32>, vector<16xi32>)  : i32 {
        %mul3A_103 = arith.constant 16 : i32
        %mul3A_104 = arith.muli %scan3A_94, %mul3A_103 : i32
        %broadcast_in_dim3A_105 = arith.constant 0 : i32
        %broadcast_in_dim3A_106 = vector.broadcast %broadcast_in_dim3A_105 : i32 to vector<16xi32>
        %add3A_107 = vector.broadcast %mul3A_104 : i32 to vector<16xi32>
        %add3A_108 = arith.addi %broadcast_in_dim3A_106, %add3A_107 : vector<16xi32>
        %add3A_109 = arith.constant 0 : i32
        %add3A_110 = arith.addi %mul3A_104, %add3A_109 : i32
        %mul3A_111 = arith.constant 16 : i32
        %mul3A_112 = arith.muli %add3A_110, %mul3A_111 : i32
        %get3A_113 = arith.index_cast %mul3A_112 : i32 to index
        %get3A_114 = tpu.vector_load %arg15[%get3A_113] {strides = array<i32>} : memref<16384xf32, #tpu.memory_space<vmem>>, vector<16xf32>,
        %mul3A_115 = arith.mulf %get3A_25, %get3A_114 : vector<16xf32>
        %get3A_116 = arith.index_cast %mul3A_112 : i32 to index
        %get3A_117 = tpu.vector_load %arg16[%get3A_116] {strides = array<i32>} : memref<16384xf32, #tpu.memory_space<vmem>>, vector<16xf32>,
        %mul3A_118 = arith.mulf %get3A_29, %get3A_117 : vector<16xf32>
        %add3A_119 = arith.addf %mul3A_115, %mul3A_118 : vector<16xf32>
        %get3A_120 = arith.index_cast %mul3A_112 : i32 to index
        %get3A_121 = tpu.vector_load %arg17[%get3A_120] {strides = array<i32>} : memref<16384xf32, #tpu.memory_space<vmem>>, vector<16xf32>,
        %mul3A_122 = arith.mulf %get3A_33, %get3A_121 : vector<16xf32>
        %add3A_123 = arith.addf %add3A_119, %mul3A_122 : vector<16xf32>
        %add3A_124 = arith.constant 0 : i32
        %add3A_125 = vector.broadcast %add3A_124 : i32 to vector<16xi32>
        %add3A_126 = arith.addi %add3A_108, %add3A_125 : vector<16xi32>
        %gt3A = arith.cmpf ogt, %add3A_123, %scan3A_95 : vector<16xf32>
        %gt3A_127 = arith.cmpf ogt, %add3A_123, %scan3A_96 : vector<16xf32>
        %gt3A_128 = arith.cmpf ogt, %add3A_123, %scan3A_97 : vector<16xf32>
        %gt3A_129 = arith.cmpf ogt, %add3A_123, %scan3A_98 : vector<16xf32>
        %min3A = arith.minimumf %scan3A_95, %add3A_123 : vector<16xf32>
        %max3A = arith.maximumf %scan3A_95, %add3A_123 : vector<16xf32>
        %min3A_130 = arith.minimumf %scan3A_96, %min3A : vector<16xf32>
        %max3A_131 = arith.maximumf %scan3A_96, %min3A : vector<16xf32>
        %min3A_132 = arith.minimumf %scan3A_97, %min3A_130 : vector<16xf32>
        %max3A_133 = arith.maximumf %scan3A_97, %min3A_130 : vector<16xf32>
        %max3A_134 = arith.maximumf %scan3A_98, %min3A_132 : vector<16xf32>
        %select_n3A = arith.select %gt3A, %scan3A_99, %add3A_126 : vector<16xi1>, vector<16xi32>
        %select_n3A_135 = arith.select %gt3A, %add3A_126, %scan3A_99 : vector<16xi1>, vector<16xi32>
        %select_n3A_136 = arith.select %gt3A_127, %scan3A_100, %select_n3A : vector<16xi1>, vector<16xi32>
        %select_n3A_137 = arith.select %gt3A_127, %select_n3A, %scan3A_100 : vector<16xi1>, vector<16xi32>
        %select_n3A_138 = arith.select %gt3A_128, %scan3A_101, %select_n3A_136 : vector<16xi1>, vector<16xi32>
        %select_n3A_139 = arith.select %gt3A_128, %select_n3A_136, %scan3A_101 : vector<16xi1>, vector<16xi32>
        %select_n3A_140 = arith.select %gt3A_129, %select_n3A_138, %scan3A_102 : vector<16xi1>, vector<16xi32>
        %add3A_141 = arith.constant 1 : i32
        %add3A_142 = arith.addi %mul3A_104, %add3A_141 : i32
        %mul3A_143 = arith.constant 16 : i32
        %mul3A_144 = arith.muli %add3A_142, %mul3A_143 : i32
        %get3A_145 = arith.index_cast %mul3A_144 : i32 to index
        %get3A_146 = tpu.vector_load %arg15[%get3A_145] {strides = array<i32>} : memref<16384xf32, #tpu.memory_space<vmem>>, vector<16xf32>,
        %mul3A_147 = arith.mulf %get3A_25, %get3A_146 : vector<16xf32>
        %get3A_148 = arith.index_cast %mul3A_144 : i32 to index
        %get3A_149 = tpu.vector_load %arg16[%get3A_148] {strides = array<i32>} : memref<16384xf32, #tpu.memory_space<vmem>>, vector<16xf32>,
        %mul3A_150 = arith.mulf %get3A_29, %get3A_149 : vector<16xf32>
        %add3A_151 = arith.addf %mul3A_147, %mul3A_150 : vector<16xf32>
        %get3A_152 = arith.index_cast %mul3A_144 : i32 to index
        %get3A_153 = tpu.vector_load %arg17[%get3A_152] {strides = array<i32>} : memref<16384xf32, #tpu.memory_space<vmem>>, vector<16xf32>,
        %mul3A_154 = arith.mulf %get3A_33, %get3A_153 : vector<16xf32>
        %add3A_155 = arith.addf %add3A_151, %mul3A_154 : vector<16xf32>
        %add3A_156 = arith.constant 1 : i32
        %add3A_157 = vector.broadcast %add3A_156 : i32 to vector<16xi32>
        %add3A_158 = arith.addi %add3A_108, %add3A_157 : vector<16xi32>
        %gt3A_159 = arith.cmpf ogt, %add3A_155, %max3A : vector<16xf32>
        %gt3A_160 = arith.cmpf ogt, %add3A_155, %max3A_131 : vector<16xf32>
        %gt3A_161 = arith.cmpf ogt, %add3A_155, %max3A_133 : vector<16xf32>
        %gt3A_162 = arith.cmpf ogt, %add3A_155, %max3A_134 : vector<16xf32>
        %min3A_163 = arith.minimumf %max3A, %add3A_155 : vector<16xf32>
        %max3A_164 = arith.maximumf %max3A, %add3A_155 : vector<16xf32>
        %min3A_165 = arith.minimumf %max3A_131, %min3A_163 : vector<16xf32>
        %max3A_166 = arith.maximumf %max3A_131, %min3A_163 : vector<16xf32>
        %min3A_167 = arith.minimumf %max3A_133, %min3A_165 : vector<16xf32>
        %max3A_168 = arith.maximumf %max3A_133, %min3A_165 : vector<16xf32>
        %max3A_169 = arith.maximumf %max3A_134, %min3A_167 : vector<16xf32>
        %select_n3A_170 = arith.select %gt3A_159, %select_n3A_135, %add3A_158 : vector<16xi1>, vector<16xi32>
        %select_n3A_171 = arith.select %gt3A_159, %add3A_158, %select_n3A_135 : vector<16xi1>, vector<16xi32>
        %select_n3A_172 = arith.select %gt3A_160, %select_n3A_137, %select_n3A_170 : vector<16xi1>, vector<16xi32>
        %select_n3A_173 = arith.select %gt3A_160, %select_n3A_170, %select_n3A_137 : vector<16xi1>, vector<16xi32>
        %select_n3A_174 = arith.select %gt3A_161, %select_n3A_139, %select_n3A_172 : vector<16xi1>, vector<16xi32>
        %select_n3A_175 = arith.select %gt3A_161, %select_n3A_172, %select_n3A_139 : vector<16xi1>, vector<16xi32>
        %select_n3A_176 = arith.select %gt3A_162, %select_n3A_174, %select_n3A_140 : vector<16xi1>, vector<16xi32>
        %add3A_177 = arith.constant 2 : i32
        %add3A_178 = arith.addi %mul3A_104, %add3A_177 : i32
        %mul3A_179 = arith.constant 16 : i32
        %mul3A_180 = arith.muli %add3A_178, %mul3A_179 : i32
        %get3A_181 = arith.index_cast %mul3A_180 : i32 to index
        %get3A_182 = tpu.vector_load %arg15[%get3A_181] {strides = array<i32>} : memref<16384xf32, #tpu.memory_space<vmem>>, vector<16xf32>,
        %mul3A_183 = arith.mulf %get3A_25, %get3A_182 : vector<16xf32>
        %get3A_184 = arith.index_cast %mul3A_180 : i32 to index
        %get3A_185 = tpu.vector_load %arg16[%get3A_184] {strides = array<i32>} : memref<16384xf32, #tpu.memory_space<vmem>>, vector<16xf32>,
        %mul3A_186 = arith.mulf %get3A_29, %get3A_185 : vector<16xf32>
        %add3A_187 = arith.addf %mul3A_183, %mul3A_186 : vector<16xf32>
        %get3A_188 = arith.index_cast %mul3A_180 : i32 to index
        %get3A_189 = tpu.vector_load %arg17[%get3A_188] {strides = array<i32>} : memref<16384xf32, #tpu.memory_space<vmem>>, vector<16xf32>,
        %mul3A_190 = arith.mulf %get3A_33, %get3A_189 : vector<16xf32>
        %add3A_191 = arith.addf %add3A_187, %mul3A_190 : vector<16xf32>
        %add3A_192 = arith.constant 2 : i32
        %add3A_193 = vector.broadcast %add3A_192 : i32 to vector<16xi32>
        %add3A_194 = arith.addi %add3A_108, %add3A_193 : vector<16xi32>
        %gt3A_195 = arith.cmpf ogt, %add3A_191, %max3A_164 : vector<16xf32>
        %gt3A_196 = arith.cmpf ogt, %add3A_191, %max3A_166 : vector<16xf32>
        %gt3A_197 = arith.cmpf ogt, %add3A_191, %max3A_168 : vector<16xf32>
        %gt3A_198 = arith.cmpf ogt, %add3A_191, %max3A_169 : vector<16xf32>
        %min3A_199 = arith.minimumf %max3A_164, %add3A_191 : vector<16xf32>
        %max3A_200 = arith.maximumf %max3A_164, %add3A_191 : vector<16xf32>
        %min3A_201 = arith.minimumf %max3A_166, %min3A_199 : vector<16xf32>
        %max3A_202 = arith.maximumf %max3A_166, %min3A_199 : vector<16xf32>
        %min3A_203 = arith.minimumf %max3A_168, %min3A_201 : vector<16xf32>
        %max3A_204 = arith.maximumf %max3A_168, %min3A_201 : vector<16xf32>
        %max3A_205 = arith.maximumf %max3A_169, %min3A_203 : vector<16xf32>
        %select_n3A_206 = arith.select %gt3A_195, %select_n3A_171, %add3A_194 : vector<16xi1>, vector<16xi32>
        %select_n3A_207 = arith.select %gt3A_195, %add3A_194, %select_n3A_171 : vector<16xi1>, vector<16xi32>
        %select_n3A_208 = arith.select %gt3A_196, %select_n3A_173, %select_n3A_206 : vector<16xi1>, vector<16xi32>
        %select_n3A_209 = arith.select %gt3A_196, %select_n3A_206, %select_n3A_173 : vector<16xi1>, vector<16xi32>
        %select_n3A_210 = arith.select %gt3A_197, %select_n3A_175, %select_n3A_208 : vector<16xi1>, vector<16xi32>
        %select_n3A_211 = arith.select %gt3A_197, %select_n3A_208, %select_n3A_175 : vector<16xi1>, vector<16xi32>
        %select_n3A_212 = arith.select %gt3A_198, %select_n3A_210, %select_n3A_176 : vector<16xi1>, vector<16xi32>
        %add3A_213 = arith.constant 3 : i32
        %add3A_214 = arith.addi %mul3A_104, %add3A_213 : i32
        %mul3A_215 = arith.constant 16 : i32
        %mul3A_216 = arith.muli %add3A_214, %mul3A_215 : i32
        %get3A_217 = arith.index_cast %mul3A_216 : i32 to index
        %get3A_218 = tpu.vector_load %arg15[%get3A_217] {strides = array<i32>} : memref<16384xf32, #tpu.memory_space<vmem>>, vector<16xf32>,
        %mul3A_219 = arith.mulf %get3A_25, %get3A_218 : vector<16xf32>
        %get3A_220 = arith.index_cast %mul3A_216 : i32 to index
        %get3A_221 = tpu.vector_load %arg16[%get3A_220] {strides = array<i32>} : memref<16384xf32, #tpu.memory_space<vmem>>, vector<16xf32>,
        %mul3A_222 = arith.mulf %get3A_29, %get3A_221 : vector<16xf32>
        %add3A_223 = arith.addf %mul3A_219, %mul3A_222 : vector<16xf32>
        %get3A_224 = arith.index_cast %mul3A_216 : i32 to index
        %get3A_225 = tpu.vector_load %arg17[%get3A_224] {strides = array<i32>} : memref<16384xf32, #tpu.memory_space<vmem>>, vector<16xf32>,
        %mul3A_226 = arith.mulf %get3A_33, %get3A_225 : vector<16xf32>
        %add3A_227 = arith.addf %add3A_223, %mul3A_226 : vector<16xf32>
        %add3A_228 = arith.constant 3 : i32
        %add3A_229 = vector.broadcast %add3A_228 : i32 to vector<16xi32>
        %add3A_230 = arith.addi %add3A_108, %add3A_229 : vector<16xi32>
        %gt3A_231 = arith.cmpf ogt, %add3A_227, %max3A_200 : vector<16xf32>
        %gt3A_232 = arith.cmpf ogt, %add3A_227, %max3A_202 : vector<16xf32>
        %gt3A_233 = arith.cmpf ogt, %add3A_227, %max3A_204 : vector<16xf32>
        %gt3A_234 = arith.cmpf ogt, %add3A_227, %max3A_205 : vector<16xf32>
        %min3A_235 = arith.minimumf %max3A_200, %add3A_227 : vector<16xf32>
        %max3A_236 = arith.maximumf %max3A_200, %add3A_227 : vector<16xf32>
        %min3A_237 = arith.minimumf %max3A_202, %min3A_235 : vector<16xf32>
        %max3A_238 = arith.maximumf %max3A_202, %min3A_235 : vector<16xf32>
        %min3A_239 = arith.minimumf %max3A_204, %min3A_237 : vector<16xf32>
        %max3A_240 = arith.maximumf %max3A_204, %min3A_237 : vector<16xf32>
        %max3A_241 = arith.maximumf %max3A_205, %min3A_239 : vector<16xf32>
        %select_n3A_242 = arith.select %gt3A_231, %select_n3A_207, %add3A_230 : vector<16xi1>, vector<16xi32>
        %select_n3A_243 = arith.select %gt3A_231, %add3A_230, %select_n3A_207 : vector<16xi1>, vector<16xi32>
        %select_n3A_244 = arith.select %gt3A_232, %select_n3A_209, %select_n3A_242 : vector<16xi1>, vector<16xi32>
        %select_n3A_245 = arith.select %gt3A_232, %select_n3A_242, %select_n3A_209 : vector<16xi1>, vector<16xi32>
        %select_n3A_246 = arith.select %gt3A_233, %select_n3A_211, %select_n3A_244 : vector<16xi1>, vector<16xi32>
        %select_n3A_247 = arith.select %gt3A_233, %select_n3A_244, %select_n3A_211 : vector<16xi1>, vector<16xi32>
        %select_n3A_248 = arith.select %gt3A_234, %select_n3A_246, %select_n3A_212 : vector<16xi1>, vector<16xi32>
        %add3A_249 = arith.constant 4 : i32
        %add3A_250 = arith.addi %mul3A_104, %add3A_249 : i32
        %mul3A_251 = arith.constant 16 : i32
        %mul3A_252 = arith.muli %add3A_250, %mul3A_251 : i32
        %get3A_253 = arith.index_cast %mul3A_252 : i32 to index
        %get3A_254 = tpu.vector_load %arg15[%get3A_253] {strides = array<i32>} : memref<16384xf32, #tpu.memory_space<vmem>>, vector<16xf32>,
        %mul3A_255 = arith.mulf %get3A_25, %get3A_254 : vector<16xf32>
        %get3A_256 = arith.index_cast %mul3A_252 : i32 to index
        %get3A_257 = tpu.vector_load %arg16[%get3A_256] {strides = array<i32>} : memref<16384xf32, #tpu.memory_space<vmem>>, vector<16xf32>,
        %mul3A_258 = arith.mulf %get3A_29, %get3A_257 : vector<16xf32>
        %add3A_259 = arith.addf %mul3A_255, %mul3A_258 : vector<16xf32>
        %get3A_260 = arith.index_cast %mul3A_252 : i32 to index
        %get3A_261 = tpu.vector_load %arg17[%get3A_260] {strides = array<i32>} : memref<16384xf32, #tpu.memory_space<vmem>>, vector<16xf32>,
        %mul3A_262 = arith.mulf %get3A_33, %get3A_261 : vector<16xf32>
        %add3A_263 = arith.addf %add3A_259, %mul3A_262 : vector<16xf32>
        %add3A_264 = arith.constant 4 : i32
        %add3A_265 = vector.broadcast %add3A_264 : i32 to vector<16xi32>
        %add3A_266 = arith.addi %add3A_108, %add3A_265 : vector<16xi32>
        %gt3A_267 = arith.cmpf ogt, %add3A_263, %max3A_236 : vector<16xf32>
        %gt3A_268 = arith.cmpf ogt, %add3A_263, %max3A_238 : vector<16xf32>
        %gt3A_269 = arith.cmpf ogt, %add3A_263, %max3A_240 : vector<16xf32>
        %gt3A_270 = arith.cmpf ogt, %add3A_263, %max3A_241 : vector<16xf32>
        %min3A_271 = arith.minimumf %max3A_236, %add3A_263 : vector<16xf32>
        %max3A_272 = arith.maximumf %max3A_236, %add3A_263 : vector<16xf32>
        %min3A_273 = arith.minimumf %max3A_238, %min3A_271 : vector<16xf32>
        %max3A_274 = arith.maximumf %max3A_238, %min3A_271 : vector<16xf32>
        %min3A_275 = arith.minimumf %max3A_240, %min3A_273 : vector<16xf32>
        %max3A_276 = arith.maximumf %max3A_240, %min3A_273 : vector<16xf32>
        %max3A_277 = arith.maximumf %max3A_241, %min3A_275 : vector<16xf32>
        %select_n3A_278 = arith.select %gt3A_267, %select_n3A_243, %add3A_266 : vector<16xi1>, vector<16xi32>
        %select_n3A_279 = arith.select %gt3A_267, %add3A_266, %select_n3A_243 : vector<16xi1>, vector<16xi32>
        %select_n3A_280 = arith.select %gt3A_268, %select_n3A_245, %select_n3A_278 : vector<16xi1>, vector<16xi32>
        %select_n3A_281 = arith.select %gt3A_268, %select_n3A_278, %select_n3A_245 : vector<16xi1>, vector<16xi32>
        %select_n3A_282 = arith.select %gt3A_269, %select_n3A_247, %select_n3A_280 : vector<16xi1>, vector<16xi32>
        %select_n3A_283 = arith.select %gt3A_269, %select_n3A_280, %select_n3A_247 : vector<16xi1>, vector<16xi32>
        %select_n3A_284 = arith.select %gt3A_270, %select_n3A_282, %select_n3A_248 : vector<16xi1>, vector<16xi32>
        %add3A_285 = arith.constant 5 : i32
        %add3A_286 = arith.addi %mul3A_104, %add3A_285 : i32
        %mul3A_287 = arith.constant 16 : i32
        %mul3A_288 = arith.muli %add3A_286, %mul3A_287 : i32
        %get3A_289 = arith.index_cast %mul3A_288 : i32 to index
        %get3A_290 = tpu.vector_load %arg15[%get3A_289] {strides = array<i32>} : memref<16384xf32, #tpu.memory_space<vmem>>, vector<16xf32>,
        %mul3A_291 = arith.mulf %get3A_25, %get3A_290 : vector<16xf32>
        %get3A_292 = arith.index_cast %mul3A_288 : i32 to index
        %get3A_293 = tpu.vector_load %arg16[%get3A_292] {strides = array<i32>} : memref<16384xf32, #tpu.memory_space<vmem>>, vector<16xf32>,
        %mul3A_294 = arith.mulf %get3A_29, %get3A_293 : vector<16xf32>
        %add3A_295 = arith.addf %mul3A_291, %mul3A_294 : vector<16xf32>
        %get3A_296 = arith.index_cast %mul3A_288 : i32 to index
        %get3A_297 = tpu.vector_load %arg17[%get3A_296] {strides = array<i32>} : memref<16384xf32, #tpu.memory_space<vmem>>, vector<16xf32>,
        %mul3A_298 = arith.mulf %get3A_33, %get3A_297 : vector<16xf32>
        %add3A_299 = arith.addf %add3A_295, %mul3A_298 : vector<16xf32>
        %add3A_300 = arith.constant 5 : i32
        %add3A_301 = vector.broadcast %add3A_300 : i32 to vector<16xi32>
        %add3A_302 = arith.addi %add3A_108, %add3A_301 : vector<16xi32>
        %gt3A_303 = arith.cmpf ogt, %add3A_299, %max3A_272 : vector<16xf32>
        %gt3A_304 = arith.cmpf ogt, %add3A_299, %max3A_274 : vector<16xf32>
        %gt3A_305 = arith.cmpf ogt, %add3A_299, %max3A_276 : vector<16xf32>
        %gt3A_306 = arith.cmpf ogt, %add3A_299, %max3A_277 : vector<16xf32>
        %min3A_307 = arith.minimumf %max3A_272, %add3A_299 : vector<16xf32>
        %max3A_308 = arith.maximumf %max3A_272, %add3A_299 : vector<16xf32>
        %min3A_309 = arith.minimumf %max3A_274, %min3A_307 : vector<16xf32>
        %max3A_310 = arith.maximumf %max3A_274, %min3A_307 : vector<16xf32>
        %min3A_311 = arith.minimumf %max3A_276, %min3A_309 : vector<16xf32>
        %max3A_312 = arith.maximumf %max3A_276, %min3A_309 : vector<16xf32>
        %max3A_313 = arith.maximumf %max3A_277, %min3A_311 : vector<16xf32>
        %select_n3A_314 = arith.select %gt3A_303, %select_n3A_279, %add3A_302 : vector<16xi1>, vector<16xi32>
        %select_n3A_315 = arith.select %gt3A_303, %add3A_302, %select_n3A_279 : vector<16xi1>, vector<16xi32>
        %select_n3A_316 = arith.select %gt3A_304, %select_n3A_281, %select_n3A_314 : vector<16xi1>, vector<16xi32>
        %select_n3A_317 = arith.select %gt3A_304, %select_n3A_314, %select_n3A_281 : vector<16xi1>, vector<16xi32>
        %select_n3A_318 = arith.select %gt3A_305, %select_n3A_283, %select_n3A_316 : vector<16xi1>, vector<16xi32>
        %select_n3A_319 = arith.select %gt3A_305, %select_n3A_316, %select_n3A_283 : vector<16xi1>, vector<16xi32>
        %select_n3A_320 = arith.select %gt3A_306, %select_n3A_318, %select_n3A_284 : vector<16xi1>, vector<16xi32>
        %add3A_321 = arith.constant 6 : i32
        %add3A_322 = arith.addi %mul3A_104, %add3A_321 : i32
        %mul3A_323 = arith.constant 16 : i32
        %mul3A_324 = arith.muli %add3A_322, %mul3A_323 : i32
        %get3A_325 = arith.index_cast %mul3A_324 : i32 to index
        %get3A_326 = tpu.vector_load %arg15[%get3A_325] {strides = array<i32>} : memref<16384xf32, #tpu.memory_space<vmem>>, vector<16xf32>,
        %mul3A_327 = arith.mulf %get3A_25, %get3A_326 : vector<16xf32>
        %get3A_328 = arith.index_cast %mul3A_324 : i32 to index
        %get3A_329 = tpu.vector_load %arg16[%get3A_328] {strides = array<i32>} : memref<16384xf32, #tpu.memory_space<vmem>>, vector<16xf32>,
        %mul3A_330 = arith.mulf %get3A_29, %get3A_329 : vector<16xf32>
        %add3A_331 = arith.addf %mul3A_327, %mul3A_330 : vector<16xf32>
        %get3A_332 = arith.index_cast %mul3A_324 : i32 to index
        %get3A_333 = tpu.vector_load %arg17[%get3A_332] {strides = array<i32>} : memref<16384xf32, #tpu.memory_space<vmem>>, vector<16xf32>,
        %mul3A_334 = arith.mulf %get3A_33, %get3A_333 : vector<16xf32>
        %add3A_335 = arith.addf %add3A_331, %mul3A_334 : vector<16xf32>
        %add3A_336 = arith.constant 6 : i32
        %add3A_337 = vector.broadcast %add3A_336 : i32 to vector<16xi32>
        %add3A_338 = arith.addi %add3A_108, %add3A_337 : vector<16xi32>
        %gt3A_339 = arith.cmpf ogt, %add3A_335, %max3A_308 : vector<16xf32>
        %gt3A_340 = arith.cmpf ogt, %add3A_335, %max3A_310 : vector<16xf32>
        %gt3A_341 = arith.cmpf ogt, %add3A_335, %max3A_312 : vector<16xf32>
        %gt3A_342 = arith.cmpf ogt, %add3A_335, %max3A_313 : vector<16xf32>
        %min3A_343 = arith.minimumf %max3A_308, %add3A_335 : vector<16xf32>
        %max3A_344 = arith.maximumf %max3A_308, %add3A_335 : vector<16xf32>
        %min3A_345 = arith.minimumf %max3A_310, %min3A_343 : vector<16xf32>
        %max3A_346 = arith.maximumf %max3A_310, %min3A_343 : vector<16xf32>
        %min3A_347 = arith.minimumf %max3A_312, %min3A_345 : vector<16xf32>
        %max3A_348 = arith.maximumf %max3A_312, %min3A_345 : vector<16xf32>
        %max3A_349 = arith.maximumf %max3A_313, %min3A_347 : vector<16xf32>
        %select_n3A_350 = arith.select %gt3A_339, %select_n3A_315, %add3A_338 : vector<16xi1>, vector<16xi32>
        %select_n3A_351 = arith.select %gt3A_339, %add3A_338, %select_n3A_315 : vector<16xi1>, vector<16xi32>
        %select_n3A_352 = arith.select %gt3A_340, %select_n3A_317, %select_n3A_350 : vector<16xi1>, vector<16xi32>
        %select_n3A_353 = arith.select %gt3A_340, %select_n3A_350, %select_n3A_317 : vector<16xi1>, vector<16xi32>
        %select_n3A_354 = arith.select %gt3A_341, %select_n3A_319, %select_n3A_352 : vector<16xi1>, vector<16xi32>
        %select_n3A_355 = arith.select %gt3A_341, %select_n3A_352, %select_n3A_319 : vector<16xi1>, vector<16xi32>
        %select_n3A_356 = arith.select %gt3A_342, %select_n3A_354, %select_n3A_320 : vector<16xi1>, vector<16xi32>
        %add3A_357 = arith.constant 7 : i32
        %add3A_358 = arith.addi %mul3A_104, %add3A_357 : i32
        %mul3A_359 = arith.constant 16 : i32
        %mul3A_360 = arith.muli %add3A_358, %mul3A_359 : i32
        %get3A_361 = arith.index_cast %mul3A_360 : i32 to index
        %get3A_362 = tpu.vector_load %arg15[%get3A_361] {strides = array<i32>} : memref<16384xf32, #tpu.memory_space<vmem>>, vector<16xf32>,
        %mul3A_363 = arith.mulf %get3A_25, %get3A_362 : vector<16xf32>
        %get3A_364 = arith.index_cast %mul3A_360 : i32 to index
        %get3A_365 = tpu.vector_load %arg16[%get3A_364] {strides = array<i32>} : memref<16384xf32, #tpu.memory_space<vmem>>, vector<16xf32>,
        %mul3A_366 = arith.mulf %get3A_29, %get3A_365 : vector<16xf32>
        %add3A_367 = arith.addf %mul3A_363, %mul3A_366 : vector<16xf32>
        %get3A_368 = arith.index_cast %mul3A_360 : i32 to index
        %get3A_369 = tpu.vector_load %arg17[%get3A_368] {strides = array<i32>} : memref<16384xf32, #tpu.memory_space<vmem>>, vector<16xf32>,
        %mul3A_370 = arith.mulf %get3A_33, %get3A_369 : vector<16xf32>
        %add3A_371 = arith.addf %add3A_367, %mul3A_370 : vector<16xf32>
        %add3A_372 = arith.constant 7 : i32
        %add3A_373 = vector.broadcast %add3A_372 : i32 to vector<16xi32>
        %add3A_374 = arith.addi %add3A_108, %add3A_373 : vector<16xi32>
        %gt3A_375 = arith.cmpf ogt, %add3A_371, %max3A_344 : vector<16xf32>
        %gt3A_376 = arith.cmpf ogt, %add3A_371, %max3A_346 : vector<16xf32>
        %gt3A_377 = arith.cmpf ogt, %add3A_371, %max3A_348 : vector<16xf32>
        %gt3A_378 = arith.cmpf ogt, %add3A_371, %max3A_349 : vector<16xf32>
        %min3A_379 = arith.minimumf %max3A_344, %add3A_371 : vector<16xf32>
        %max3A_380 = arith.maximumf %max3A_344, %add3A_371 : vector<16xf32>
        %min3A_381 = arith.minimumf %max3A_346, %min3A_379 : vector<16xf32>
        %max3A_382 = arith.maximumf %max3A_346, %min3A_379 : vector<16xf32>
        %min3A_383 = arith.minimumf %max3A_348, %min3A_381 : vector<16xf32>
        %max3A_384 = arith.maximumf %max3A_348, %min3A_381 : vector<16xf32>
        %max3A_385 = arith.maximumf %max3A_349, %min3A_383 : vector<16xf32>
        %select_n3A_386 = arith.select %gt3A_375, %select_n3A_351, %add3A_374 : vector<16xi1>, vector<16xi32>
        %select_n3A_387 = arith.select %gt3A_375, %add3A_374, %select_n3A_351 : vector<16xi1>, vector<16xi32>
        %select_n3A_388 = arith.select %gt3A_376, %select_n3A_353, %select_n3A_386 : vector<16xi1>, vector<16xi32>
        %select_n3A_389 = arith.select %gt3A_376, %select_n3A_386, %select_n3A_353 : vector<16xi1>, vector<16xi32>
        %select_n3A_390 = arith.select %gt3A_377, %select_n3A_355, %select_n3A_388 : vector<16xi1>, vector<16xi32>
        %select_n3A_391 = arith.select %gt3A_377, %select_n3A_388, %select_n3A_355 : vector<16xi1>, vector<16xi32>
        %select_n3A_392 = arith.select %gt3A_378, %select_n3A_390, %select_n3A_356 : vector<16xi1>, vector<16xi32>
        %add3A_393 = arith.constant 8 : i32
        %add3A_394 = arith.addi %mul3A_104, %add3A_393 : i32
        %mul3A_395 = arith.constant 16 : i32
        %mul3A_396 = arith.muli %add3A_394, %mul3A_395 : i32
        %get3A_397 = arith.index_cast %mul3A_396 : i32 to index
        %get3A_398 = tpu.vector_load %arg15[%get3A_397] {strides = array<i32>} : memref<16384xf32, #tpu.memory_space<vmem>>, vector<16xf32>,
        %mul3A_399 = arith.mulf %get3A_25, %get3A_398 : vector<16xf32>
        %get3A_400 = arith.index_cast %mul3A_396 : i32 to index
        %get3A_401 = tpu.vector_load %arg16[%get3A_400] {strides = array<i32>} : memref<16384xf32, #tpu.memory_space<vmem>>, vector<16xf32>,
        %mul3A_402 = arith.mulf %get3A_29, %get3A_401 : vector<16xf32>
        %add3A_403 = arith.addf %mul3A_399, %mul3A_402 : vector<16xf32>
        %get3A_404 = arith.index_cast %mul3A_396 : i32 to index
        %get3A_405 = tpu.vector_load %arg17[%get3A_404] {strides = array<i32>} : memref<16384xf32, #tpu.memory_space<vmem>>, vector<16xf32>,
        %mul3A_406 = arith.mulf %get3A_33, %get3A_405 : vector<16xf32>
        %add3A_407 = arith.addf %add3A_403, %mul3A_406 : vector<16xf32>
        %add3A_408 = arith.constant 8 : i32
        %add3A_409 = vector.broadcast %add3A_408 : i32 to vector<16xi32>
        %add3A_410 = arith.addi %add3A_108, %add3A_409 : vector<16xi32>
        %gt3A_411 = arith.cmpf ogt, %add3A_407, %max3A_380 : vector<16xf32>
        %gt3A_412 = arith.cmpf ogt, %add3A_407, %max3A_382 : vector<16xf32>
        %gt3A_413 = arith.cmpf ogt, %add3A_407, %max3A_384 : vector<16xf32>
        %gt3A_414 = arith.cmpf ogt, %add3A_407, %max3A_385 : vector<16xf32>
        %min3A_415 = arith.minimumf %max3A_380, %add3A_407 : vector<16xf32>
        %max3A_416 = arith.maximumf %max3A_380, %add3A_407 : vector<16xf32>
        %min3A_417 = arith.minimumf %max3A_382, %min3A_415 : vector<16xf32>
        %max3A_418 = arith.maximumf %max3A_382, %min3A_415 : vector<16xf32>
        %min3A_419 = arith.minimumf %max3A_384, %min3A_417 : vector<16xf32>
        %max3A_420 = arith.maximumf %max3A_384, %min3A_417 : vector<16xf32>
        %max3A_421 = arith.maximumf %max3A_385, %min3A_419 : vector<16xf32>
        %select_n3A_422 = arith.select %gt3A_411, %select_n3A_387, %add3A_410 : vector<16xi1>, vector<16xi32>
        %select_n3A_423 = arith.select %gt3A_411, %add3A_410, %select_n3A_387 : vector<16xi1>, vector<16xi32>
        %select_n3A_424 = arith.select %gt3A_412, %select_n3A_389, %select_n3A_422 : vector<16xi1>, vector<16xi32>
        %select_n3A_425 = arith.select %gt3A_412, %select_n3A_422, %select_n3A_389 : vector<16xi1>, vector<16xi32>
        %select_n3A_426 = arith.select %gt3A_413, %select_n3A_391, %select_n3A_424 : vector<16xi1>, vector<16xi32>
        %select_n3A_427 = arith.select %gt3A_413, %select_n3A_424, %select_n3A_391 : vector<16xi1>, vector<16xi32>
        %select_n3A_428 = arith.select %gt3A_414, %select_n3A_426, %select_n3A_392 : vector<16xi1>, vector<16xi32>
        %add3A_429 = arith.constant 9 : i32
        %add3A_430 = arith.addi %mul3A_104, %add3A_429 : i32
        %mul3A_431 = arith.constant 16 : i32
        %mul3A_432 = arith.muli %add3A_430, %mul3A_431 : i32
        %get3A_433 = arith.index_cast %mul3A_432 : i32 to index
        %get3A_434 = tpu.vector_load %arg15[%get3A_433] {strides = array<i32>} : memref<16384xf32, #tpu.memory_space<vmem>>, vector<16xf32>,
        %mul3A_435 = arith.mulf %get3A_25, %get3A_434 : vector<16xf32>
        %get3A_436 = arith.index_cast %mul3A_432 : i32 to index
        %get3A_437 = tpu.vector_load %arg16[%get3A_436] {strides = array<i32>} : memref<16384xf32, #tpu.memory_space<vmem>>, vector<16xf32>,
        %mul3A_438 = arith.mulf %get3A_29, %get3A_437 : vector<16xf32>
        %add3A_439 = arith.addf %mul3A_435, %mul3A_438 : vector<16xf32>
        %get3A_440 = arith.index_cast %mul3A_432 : i32 to index
        %get3A_441 = tpu.vector_load %arg17[%get3A_440] {strides = array<i32>} : memref<16384xf32, #tpu.memory_space<vmem>>, vector<16xf32>,
        %mul3A_442 = arith.mulf %get3A_33, %get3A_441 : vector<16xf32>
        %add3A_443 = arith.addf %add3A_439, %mul3A_442 : vector<16xf32>
        %add3A_444 = arith.constant 9 : i32
        %add3A_445 = vector.broadcast %add3A_444 : i32 to vector<16xi32>
        %add3A_446 = arith.addi %add3A_108, %add3A_445 : vector<16xi32>
        %gt3A_447 = arith.cmpf ogt, %add3A_443, %max3A_416 : vector<16xf32>
        %gt3A_448 = arith.cmpf ogt, %add3A_443, %max3A_418 : vector<16xf32>
        %gt3A_449 = arith.cmpf ogt, %add3A_443, %max3A_420 : vector<16xf32>
        %gt3A_450 = arith.cmpf ogt, %add3A_443, %max3A_421 : vector<16xf32>
        %min3A_451 = arith.minimumf %max3A_416, %add3A_443 : vector<16xf32>
        %max3A_452 = arith.maximumf %max3A_416, %add3A_443 : vector<16xf32>
        %min3A_453 = arith.minimumf %max3A_418, %min3A_451 : vector<16xf32>
        %max3A_454 = arith.maximumf %max3A_418, %min3A_451 : vector<16xf32>
        %min3A_455 = arith.minimumf %max3A_420, %min3A_453 : vector<16xf32>
        %max3A_456 = arith.maximumf %max3A_420, %min3A_453 : vector<16xf32>
        %max3A_457 = arith.maximumf %max3A_421, %min3A_455 : vector<16xf32>
        %select_n3A_458 = arith.select %gt3A_447, %select_n3A_423, %add3A_446 : vector<16xi1>, vector<16xi32>
        %select_n3A_459 = arith.select %gt3A_447, %add3A_446, %select_n3A_423 : vector<16xi1>, vector<16xi32>
        %select_n3A_460 = arith.select %gt3A_448, %select_n3A_425, %select_n3A_458 : vector<16xi1>, vector<16xi32>
        %select_n3A_461 = arith.select %gt3A_448, %select_n3A_458, %select_n3A_425 : vector<16xi1>, vector<16xi32>
        %select_n3A_462 = arith.select %gt3A_449, %select_n3A_427, %select_n3A_460 : vector<16xi1>, vector<16xi32>
        %select_n3A_463 = arith.select %gt3A_449, %select_n3A_460, %select_n3A_427 : vector<16xi1>, vector<16xi32>
        %select_n3A_464 = arith.select %gt3A_450, %select_n3A_462, %select_n3A_428 : vector<16xi1>, vector<16xi32>
        %add3A_465 = arith.constant 10 : i32
        %add3A_466 = arith.addi %mul3A_104, %add3A_465 : i32
        %mul3A_467 = arith.constant 16 : i32
        %mul3A_468 = arith.muli %add3A_466, %mul3A_467 : i32
        %get3A_469 = arith.index_cast %mul3A_468 : i32 to index
        %get3A_470 = tpu.vector_load %arg15[%get3A_469] {strides = array<i32>} : memref<16384xf32, #tpu.memory_space<vmem>>, vector<16xf32>,
        %mul3A_471 = arith.mulf %get3A_25, %get3A_470 : vector<16xf32>
        %get3A_472 = arith.index_cast %mul3A_468 : i32 to index
        %get3A_473 = tpu.vector_load %arg16[%get3A_472] {strides = array<i32>} : memref<16384xf32, #tpu.memory_space<vmem>>, vector<16xf32>,
        %mul3A_474 = arith.mulf %get3A_29, %get3A_473 : vector<16xf32>
        %add3A_475 = arith.addf %mul3A_471, %mul3A_474 : vector<16xf32>
        %get3A_476 = arith.index_cast %mul3A_468 : i32 to index
        %get3A_477 = tpu.vector_load %arg17[%get3A_476] {strides = array<i32>} : memref<16384xf32, #tpu.memory_space<vmem>>, vector<16xf32>,
        %mul3A_478 = arith.mulf %get3A_33, %get3A_477 : vector<16xf32>
        %add3A_479 = arith.addf %add3A_475, %mul3A_478 : vector<16xf32>
        %add3A_480 = arith.constant 10 : i32
        %add3A_481 = vector.broadcast %add3A_480 : i32 to vector<16xi32>
        %add3A_482 = arith.addi %add3A_108, %add3A_481 : vector<16xi32>
        %gt3A_483 = arith.cmpf ogt, %add3A_479, %max3A_452 : vector<16xf32>
        %gt3A_484 = arith.cmpf ogt, %add3A_479, %max3A_454 : vector<16xf32>
        %gt3A_485 = arith.cmpf ogt, %add3A_479, %max3A_456 : vector<16xf32>
        %gt3A_486 = arith.cmpf ogt, %add3A_479, %max3A_457 : vector<16xf32>
        %min3A_487 = arith.minimumf %max3A_452, %add3A_479 : vector<16xf32>
        %max3A_488 = arith.maximumf %max3A_452, %add3A_479 : vector<16xf32>
        %min3A_489 = arith.minimumf %max3A_454, %min3A_487 : vector<16xf32>
        %max3A_490 = arith.maximumf %max3A_454, %min3A_487 : vector<16xf32>
        %min3A_491 = arith.minimumf %max3A_456, %min3A_489 : vector<16xf32>
        %max3A_492 = arith.maximumf %max3A_456, %min3A_489 : vector<16xf32>
        %max3A_493 = arith.maximumf %max3A_457, %min3A_491 : vector<16xf32>
        %select_n3A_494 = arith.select %gt3A_483, %select_n3A_459, %add3A_482 : vector<16xi1>, vector<16xi32>
        %select_n3A_495 = arith.select %gt3A_483, %add3A_482, %select_n3A_459 : vector<16xi1>, vector<16xi32>
        %select_n3A_496 = arith.select %gt3A_484, %select_n3A_461, %select_n3A_494 : vector<16xi1>, vector<16xi32>
        %select_n3A_497 = arith.select %gt3A_484, %select_n3A_494, %select_n3A_461 : vector<16xi1>, vector<16xi32>
        %select_n3A_498 = arith.select %gt3A_485, %select_n3A_463, %select_n3A_496 : vector<16xi1>, vector<16xi32>
        %select_n3A_499 = arith.select %gt3A_485, %select_n3A_496, %select_n3A_463 : vector<16xi1>, vector<16xi32>
        %select_n3A_500 = arith.select %gt3A_486, %select_n3A_498, %select_n3A_464 : vector<16xi1>, vector<16xi32>
        %add3A_501 = arith.constant 11 : i32
        %add3A_502 = arith.addi %mul3A_104, %add3A_501 : i32
        %mul3A_503 = arith.constant 16 : i32
        %mul3A_504 = arith.muli %add3A_502, %mul3A_503 : i32
        %get3A_505 = arith.index_cast %mul3A_504 : i32 to index
        %get3A_506 = tpu.vector_load %arg15[%get3A_505] {strides = array<i32>} : memref<16384xf32, #tpu.memory_space<vmem>>, vector<16xf32>,
        %mul3A_507 = arith.mulf %get3A_25, %get3A_506 : vector<16xf32>
        %get3A_508 = arith.index_cast %mul3A_504 : i32 to index
        %get3A_509 = tpu.vector_load %arg16[%get3A_508] {strides = array<i32>} : memref<16384xf32, #tpu.memory_space<vmem>>, vector<16xf32>,
        %mul3A_510 = arith.mulf %get3A_29, %get3A_509 : vector<16xf32>
        %add3A_511 = arith.addf %mul3A_507, %mul3A_510 : vector<16xf32>
        %get3A_512 = arith.index_cast %mul3A_504 : i32 to index
        %get3A_513 = tpu.vector_load %arg17[%get3A_512] {strides = array<i32>} : memref<16384xf32, #tpu.memory_space<vmem>>, vector<16xf32>,
        %mul3A_514 = arith.mulf %get3A_33, %get3A_513 : vector<16xf32>
        %add3A_515 = arith.addf %add3A_511, %mul3A_514 : vector<16xf32>
        %add3A_516 = arith.constant 11 : i32
        %add3A_517 = vector.broadcast %add3A_516 : i32 to vector<16xi32>
        %add3A_518 = arith.addi %add3A_108, %add3A_517 : vector<16xi32>
        %gt3A_519 = arith.cmpf ogt, %add3A_515, %max3A_488 : vector<16xf32>
        %gt3A_520 = arith.cmpf ogt, %add3A_515, %max3A_490 : vector<16xf32>
        %gt3A_521 = arith.cmpf ogt, %add3A_515, %max3A_492 : vector<16xf32>
        %gt3A_522 = arith.cmpf ogt, %add3A_515, %max3A_493 : vector<16xf32>
        %min3A_523 = arith.minimumf %max3A_488, %add3A_515 : vector<16xf32>
        %max3A_524 = arith.maximumf %max3A_488, %add3A_515 : vector<16xf32>
        %min3A_525 = arith.minimumf %max3A_490, %min3A_523 : vector<16xf32>
        %max3A_526 = arith.maximumf %max3A_490, %min3A_523 : vector<16xf32>
        %min3A_527 = arith.minimumf %max3A_492, %min3A_525 : vector<16xf32>
        %max3A_528 = arith.maximumf %max3A_492, %min3A_525 : vector<16xf32>
        %max3A_529 = arith.maximumf %max3A_493, %min3A_527 : vector<16xf32>
        %select_n3A_530 = arith.select %gt3A_519, %select_n3A_495, %add3A_518 : vector<16xi1>, vector<16xi32>
        %select_n3A_531 = arith.select %gt3A_519, %add3A_518, %select_n3A_495 : vector<16xi1>, vector<16xi32>
        %select_n3A_532 = arith.select %gt3A_520, %select_n3A_497, %select_n3A_530 : vector<16xi1>, vector<16xi32>
        %select_n3A_533 = arith.select %gt3A_520, %select_n3A_530, %select_n3A_497 : vector<16xi1>, vector<16xi32>
        %select_n3A_534 = arith.select %gt3A_521, %select_n3A_499, %select_n3A_532 : vector<16xi1>, vector<16xi32>
        %select_n3A_535 = arith.select %gt3A_521, %select_n3A_532, %select_n3A_499 : vector<16xi1>, vector<16xi32>
        %select_n3A_536 = arith.select %gt3A_522, %select_n3A_534, %select_n3A_500 : vector<16xi1>, vector<16xi32>
        %add3A_537 = arith.constant 12 : i32
        %add3A_538 = arith.addi %mul3A_104, %add3A_537 : i32
        %mul3A_539 = arith.constant 16 : i32
        %mul3A_540 = arith.muli %add3A_538, %mul3A_539 : i32
        %get3A_541 = arith.index_cast %mul3A_540 : i32 to index
        %get3A_542 = tpu.vector_load %arg15[%get3A_541] {strides = array<i32>} : memref<16384xf32, #tpu.memory_space<vmem>>, vector<16xf32>,
        %mul3A_543 = arith.mulf %get3A_25, %get3A_542 : vector<16xf32>
        %get3A_544 = arith.index_cast %mul3A_540 : i32 to index
        %get3A_545 = tpu.vector_load %arg16[%get3A_544] {strides = array<i32>} : memref<16384xf32, #tpu.memory_space<vmem>>, vector<16xf32>,
        %mul3A_546 = arith.mulf %get3A_29, %get3A_545 : vector<16xf32>
        %add3A_547 = arith.addf %mul3A_543, %mul3A_546 : vector<16xf32>
        %get3A_548 = arith.index_cast %mul3A_540 : i32 to index
        %get3A_549 = tpu.vector_load %arg17[%get3A_548] {strides = array<i32>} : memref<16384xf32, #tpu.memory_space<vmem>>, vector<16xf32>,
        %mul3A_550 = arith.mulf %get3A_33, %get3A_549 : vector<16xf32>
        %add3A_551 = arith.addf %add3A_547, %mul3A_550 : vector<16xf32>
        %add3A_552 = arith.constant 12 : i32
        %add3A_553 = vector.broadcast %add3A_552 : i32 to vector<16xi32>
        %add3A_554 = arith.addi %add3A_108, %add3A_553 : vector<16xi32>
        %gt3A_555 = arith.cmpf ogt, %add3A_551, %max3A_524 : vector<16xf32>
        %gt3A_556 = arith.cmpf ogt, %add3A_551, %max3A_526 : vector<16xf32>
        %gt3A_557 = arith.cmpf ogt, %add3A_551, %max3A_528 : vector<16xf32>
        %gt3A_558 = arith.cmpf ogt, %add3A_551, %max3A_529 : vector<16xf32>
        %min3A_559 = arith.minimumf %max3A_524, %add3A_551 : vector<16xf32>
        %max3A_560 = arith.maximumf %max3A_524, %add3A_551 : vector<16xf32>
        %min3A_561 = arith.minimumf %max3A_526, %min3A_559 : vector<16xf32>
        %max3A_562 = arith.maximumf %max3A_526, %min3A_559 : vector<16xf32>
        %min3A_563 = arith.minimumf %max3A_528, %min3A_561 : vector<16xf32>
        %max3A_564 = arith.maximumf %max3A_528, %min3A_561 : vector<16xf32>
        %max3A_565 = arith.maximumf %max3A_529, %min3A_563 : vector<16xf32>
        %select_n3A_566 = arith.select %gt3A_555, %select_n3A_531, %add3A_554 : vector<16xi1>, vector<16xi32>
        %select_n3A_567 = arith.select %gt3A_555, %add3A_554, %select_n3A_531 : vector<16xi1>, vector<16xi32>
        %select_n3A_568 = arith.select %gt3A_556, %select_n3A_533, %select_n3A_566 : vector<16xi1>, vector<16xi32>
        %select_n3A_569 = arith.select %gt3A_556, %select_n3A_566, %select_n3A_533 : vector<16xi1>, vector<16xi32>
        %select_n3A_570 = arith.select %gt3A_557, %select_n3A_535, %select_n3A_568 : vector<16xi1>, vector<16xi32>
        %select_n3A_571 = arith.select %gt3A_557, %select_n3A_568, %select_n3A_535 : vector<16xi1>, vector<16xi32>
        %select_n3A_572 = arith.select %gt3A_558, %select_n3A_570, %select_n3A_536 : vector<16xi1>, vector<16xi32>
        %add3A_573 = arith.constant 13 : i32
        %add3A_574 = arith.addi %mul3A_104, %add3A_573 : i32
        %mul3A_575 = arith.constant 16 : i32
        %mul3A_576 = arith.muli %add3A_574, %mul3A_575 : i32
        %get3A_577 = arith.index_cast %mul3A_576 : i32 to index
        %get3A_578 = tpu.vector_load %arg15[%get3A_577] {strides = array<i32>} : memref<16384xf32, #tpu.memory_space<vmem>>, vector<16xf32>,
        %mul3A_579 = arith.mulf %get3A_25, %get3A_578 : vector<16xf32>
        %get3A_580 = arith.index_cast %mul3A_576 : i32 to index
        %get3A_581 = tpu.vector_load %arg16[%get3A_580] {strides = array<i32>} : memref<16384xf32, #tpu.memory_space<vmem>>, vector<16xf32>,
        %mul3A_582 = arith.mulf %get3A_29, %get3A_581 : vector<16xf32>
        %add3A_583 = arith.addf %mul3A_579, %mul3A_582 : vector<16xf32>
        %get3A_584 = arith.index_cast %mul3A_576 : i32 to index
        %get3A_585 = tpu.vector_load %arg17[%get3A_584] {strides = array<i32>} : memref<16384xf32, #tpu.memory_space<vmem>>, vector<16xf32>,
        %mul3A_586 = arith.mulf %get3A_33, %get3A_585 : vector<16xf32>
        %add3A_587 = arith.addf %add3A_583, %mul3A_586 : vector<16xf32>
        %add3A_588 = arith.constant 13 : i32
        %add3A_589 = vector.broadcast %add3A_588 : i32 to vector<16xi32>
        %add3A_590 = arith.addi %add3A_108, %add3A_589 : vector<16xi32>
        %gt3A_591 = arith.cmpf ogt, %add3A_587, %max3A_560 : vector<16xf32>
        %gt3A_592 = arith.cmpf ogt, %add3A_587, %max3A_562 : vector<16xf32>
        %gt3A_593 = arith.cmpf ogt, %add3A_587, %max3A_564 : vector<16xf32>
        %gt3A_594 = arith.cmpf ogt, %add3A_587, %max3A_565 : vector<16xf32>
        %min3A_595 = arith.minimumf %max3A_560, %add3A_587 : vector<16xf32>
        %max3A_596 = arith.maximumf %max3A_560, %add3A_587 : vector<16xf32>
        %min3A_597 = arith.minimumf %max3A_562, %min3A_595 : vector<16xf32>
        %max3A_598 = arith.maximumf %max3A_562, %min3A_595 : vector<16xf32>
        %min3A_599 = arith.minimumf %max3A_564, %min3A_597 : vector<16xf32>
        %max3A_600 = arith.maximumf %max3A_564, %min3A_597 : vector<16xf32>
        %max3A_601 = arith.maximumf %max3A_565, %min3A_599 : vector<16xf32>
        %select_n3A_602 = arith.select %gt3A_591, %select_n3A_567, %add3A_590 : vector<16xi1>, vector<16xi32>
        %select_n3A_603 = arith.select %gt3A_591, %add3A_590, %select_n3A_567 : vector<16xi1>, vector<16xi32>
        %select_n3A_604 = arith.select %gt3A_592, %select_n3A_569, %select_n3A_602 : vector<16xi1>, vector<16xi32>
        %select_n3A_605 = arith.select %gt3A_592, %select_n3A_602, %select_n3A_569 : vector<16xi1>, vector<16xi32>
        %select_n3A_606 = arith.select %gt3A_593, %select_n3A_571, %select_n3A_604 : vector<16xi1>, vector<16xi32>
        %select_n3A_607 = arith.select %gt3A_593, %select_n3A_604, %select_n3A_571 : vector<16xi1>, vector<16xi32>
        %select_n3A_608 = arith.select %gt3A_594, %select_n3A_606, %select_n3A_572 : vector<16xi1>, vector<16xi32>
        %add3A_609 = arith.constant 14 : i32
        %add3A_610 = arith.addi %mul3A_104, %add3A_609 : i32
        %mul3A_611 = arith.constant 16 : i32
        %mul3A_612 = arith.muli %add3A_610, %mul3A_611 : i32
        %get3A_613 = arith.index_cast %mul3A_612 : i32 to index
        %get3A_614 = tpu.vector_load %arg15[%get3A_613] {strides = array<i32>} : memref<16384xf32, #tpu.memory_space<vmem>>, vector<16xf32>,
        %mul3A_615 = arith.mulf %get3A_25, %get3A_614 : vector<16xf32>
        %get3A_616 = arith.index_cast %mul3A_612 : i32 to index
        %get3A_617 = tpu.vector_load %arg16[%get3A_616] {strides = array<i32>} : memref<16384xf32, #tpu.memory_space<vmem>>, vector<16xf32>,
        %mul3A_618 = arith.mulf %get3A_29, %get3A_617 : vector<16xf32>
        %add3A_619 = arith.addf %mul3A_615, %mul3A_618 : vector<16xf32>
        %get3A_620 = arith.index_cast %mul3A_612 : i32 to index
        %get3A_621 = tpu.vector_load %arg17[%get3A_620] {strides = array<i32>} : memref<16384xf32, #tpu.memory_space<vmem>>, vector<16xf32>,
        %mul3A_622 = arith.mulf %get3A_33, %get3A_621 : vector<16xf32>
        %add3A_623 = arith.addf %add3A_619, %mul3A_622 : vector<16xf32>
        %add3A_624 = arith.constant 14 : i32
        %add3A_625 = vector.broadcast %add3A_624 : i32 to vector<16xi32>
        %add3A_626 = arith.addi %add3A_108, %add3A_625 : vector<16xi32>
        %gt3A_627 = arith.cmpf ogt, %add3A_623, %max3A_596 : vector<16xf32>
        %gt3A_628 = arith.cmpf ogt, %add3A_623, %max3A_598 : vector<16xf32>
        %gt3A_629 = arith.cmpf ogt, %add3A_623, %max3A_600 : vector<16xf32>
        %gt3A_630 = arith.cmpf ogt, %add3A_623, %max3A_601 : vector<16xf32>
        %min3A_631 = arith.minimumf %max3A_596, %add3A_623 : vector<16xf32>
        %max3A_632 = arith.maximumf %max3A_596, %add3A_623 : vector<16xf32>
        %min3A_633 = arith.minimumf %max3A_598, %min3A_631 : vector<16xf32>
        %max3A_634 = arith.maximumf %max3A_598, %min3A_631 : vector<16xf32>
        %min3A_635 = arith.minimumf %max3A_600, %min3A_633 : vector<16xf32>
        %max3A_636 = arith.maximumf %max3A_600, %min3A_633 : vector<16xf32>
        %max3A_637 = arith.maximumf %max3A_601, %min3A_635 : vector<16xf32>
        %select_n3A_638 = arith.select %gt3A_627, %select_n3A_603, %add3A_626 : vector<16xi1>, vector<16xi32>
        %select_n3A_639 = arith.select %gt3A_627, %add3A_626, %select_n3A_603 : vector<16xi1>, vector<16xi32>
        %select_n3A_640 = arith.select %gt3A_628, %select_n3A_605, %select_n3A_638 : vector<16xi1>, vector<16xi32>
        %select_n3A_641 = arith.select %gt3A_628, %select_n3A_638, %select_n3A_605 : vector<16xi1>, vector<16xi32>
        %select_n3A_642 = arith.select %gt3A_629, %select_n3A_607, %select_n3A_640 : vector<16xi1>, vector<16xi32>
        %select_n3A_643 = arith.select %gt3A_629, %select_n3A_640, %select_n3A_607 : vector<16xi1>, vector<16xi32>
        %select_n3A_644 = arith.select %gt3A_630, %select_n3A_642, %select_n3A_608 : vector<16xi1>, vector<16xi32>
        %add3A_645 = arith.constant 15 : i32
        %add3A_646 = arith.addi %mul3A_104, %add3A_645 : i32
        %mul3A_647 = arith.constant 16 : i32
        %mul3A_648 = arith.muli %add3A_646, %mul3A_647 : i32
        %get3A_649 = arith.index_cast %mul3A_648 : i32 to index
        %get3A_650 = tpu.vector_load %arg15[%get3A_649] {strides = array<i32>} : memref<16384xf32, #tpu.memory_space<vmem>>, vector<16xf32>,
        %mul3A_651 = arith.mulf %get3A_25, %get3A_650 : vector<16xf32>
        %get3A_652 = arith.index_cast %mul3A_648 : i32 to index
        %get3A_653 = tpu.vector_load %arg16[%get3A_652] {strides = array<i32>} : memref<16384xf32, #tpu.memory_space<vmem>>, vector<16xf32>,
        %mul3A_654 = arith.mulf %get3A_29, %get3A_653 : vector<16xf32>
        %add3A_655 = arith.addf %mul3A_651, %mul3A_654 : vector<16xf32>
        %get3A_656 = arith.index_cast %mul3A_648 : i32 to index
        %get3A_657 = tpu.vector_load %arg17[%get3A_656] {strides = array<i32>} : memref<16384xf32, #tpu.memory_space<vmem>>, vector<16xf32>,
        %mul3A_658 = arith.mulf %get3A_33, %get3A_657 : vector<16xf32>
        %add3A_659 = arith.addf %add3A_655, %mul3A_658 : vector<16xf32>
        %add3A_660 = arith.constant 15 : i32
        %add3A_661 = vector.broadcast %add3A_660 : i32 to vector<16xi32>
        %add3A_662 = arith.addi %add3A_108, %add3A_661 : vector<16xi32>
        %gt3A_663 = arith.cmpf ogt, %add3A_659, %max3A_632 : vector<16xf32>
        %gt3A_664 = arith.cmpf ogt, %add3A_659, %max3A_634 : vector<16xf32>
        %gt3A_665 = arith.cmpf ogt, %add3A_659, %max3A_636 : vector<16xf32>
        %gt3A_666 = arith.cmpf ogt, %add3A_659, %max3A_637 : vector<16xf32>
        %min3A_667 = arith.minimumf %max3A_632, %add3A_659 : vector<16xf32>
        %max3A_668 = arith.maximumf %max3A_632, %add3A_659 : vector<16xf32>
        %min3A_669 = arith.minimumf %max3A_634, %min3A_667 : vector<16xf32>
        %max3A_670 = arith.maximumf %max3A_634, %min3A_667 : vector<16xf32>
        %min3A_671 = arith.minimumf %max3A_636, %min3A_669 : vector<16xf32>
        %max3A_672 = arith.maximumf %max3A_636, %min3A_669 : vector<16xf32>
        %max3A_673 = arith.maximumf %max3A_637, %min3A_671 : vector<16xf32>
        %select_n3A_674 = arith.select %gt3A_663, %select_n3A_639, %add3A_662 : vector<16xi1>, vector<16xi32>
        %select_n3A_675 = arith.select %gt3A_663, %add3A_662, %select_n3A_639 : vector<16xi1>, vector<16xi32>
        %select_n3A_676 = arith.select %gt3A_664, %select_n3A_641, %select_n3A_674 : vector<16xi1>, vector<16xi32>
        %select_n3A_677 = arith.select %gt3A_664, %select_n3A_674, %select_n3A_641 : vector<16xi1>, vector<16xi32>
        %select_n3A_678 = arith.select %gt3A_665, %select_n3A_643, %select_n3A_676 : vector<16xi1>, vector<16xi32>
        %select_n3A_679 = arith.select %gt3A_665, %select_n3A_676, %select_n3A_643 : vector<16xi1>, vector<16xi32>
        %select_n3A_680 = arith.select %gt3A_666, %select_n3A_678, %select_n3A_644 : vector<16xi1>, vector<16xi32>
        scf.yield %max3A_668, %max3A_670, %max3A_672, %max3A_673, %select_n3A_675, %select_n3A_677, %select_n3A_679, %select_n3A_680 : vector<16xf32>, vector<16xf32>, vector<16xf32>, vector<16xf32>, vector<16xi32>, vector<16xi32>, vector<16xi32>, vector<16xi32>
      }
      %scan3A_39 = arith.constant 64 : i32
      %mul3A_40 = arith.constant 192 : i32
      %mul3A_41 = arith.muli %scan3A_21, %mul3A_40 : i32
      %gather3A = tpu.vector_load_idx %arg18[%scan3A_38#4] : memref<1024xf32, #tpu.memory_space<vmem>>[vector<16xi32>], vector<16xf32>,
      %gather3A_42 = tpu.vector_load_idx %arg19[%scan3A_38#4] : memref<1024xf32, #tpu.memory_space<vmem>>[vector<16xi32>], vector<16xf32>,
      %gather3A_43 = tpu.vector_load_idx %arg20[%scan3A_38#4] : memref<1024xf32, #tpu.memory_space<vmem>>[vector<16xi32>], vector<16xf32>,
      %add3A_44 = arith.constant 0 : i32
      %add3A_45 = arith.addi %mul3A_41, %add3A_44 : i32
      %add3A_46 = vector.broadcast %add3A_45 : i32 to vector<16xi32>
      %add3A_47 = arith.addi %mul3A_7, %add3A_46 : vector<16xi32>
      tpu.vector_store_idx %arg21[%add3A_47], %gather3A : memref<9984xf32, #tpu.memory_space<vmem>>[vector<16xi32>], vector<16xf32>,
      %add3A_48 = arith.constant 1 : i32
      %add3A_49 = vector.broadcast %add3A_48 : i32 to vector<16xi32>
      %add3A_50 = arith.addi %add3A_47, %add3A_49 : vector<16xi32>
      tpu.vector_store_idx %arg21[%add3A_50], %gather3A_42 : memref<9984xf32, #tpu.memory_space<vmem>>[vector<16xi32>], vector<16xf32>,
      %add3A_51 = arith.constant 2 : i32
      %add3A_52 = vector.broadcast %add3A_51 : i32 to vector<16xi32>
      %add3A_53 = arith.addi %add3A_47, %add3A_52 : vector<16xi32>
      tpu.vector_store_idx %arg21[%add3A_53], %gather3A_43 : memref<9984xf32, #tpu.memory_space<vmem>>[vector<16xi32>], vector<16xf32>,
      %gather3A_54 = tpu.vector_load_idx %arg18[%scan3A_38#5] : memref<1024xf32, #tpu.memory_space<vmem>>[vector<16xi32>], vector<16xf32>,
      %gather3A_55 = tpu.vector_load_idx %arg19[%scan3A_38#5] : memref<1024xf32, #tpu.memory_space<vmem>>[vector<16xi32>], vector<16xf32>,
      %gather3A_56 = tpu.vector_load_idx %arg20[%scan3A_38#5] : memref<1024xf32, #tpu.memory_space<vmem>>[vector<16xi32>], vector<16xf32>,
      %add3A_57 = arith.constant 3 : i32
      %add3A_58 = arith.addi %mul3A_41, %add3A_57 : i32
      %add3A_59 = vector.broadcast %add3A_58 : i32 to vector<16xi32>
      %add3A_60 = arith.addi %mul3A_7, %add3A_59 : vector<16xi32>
      tpu.vector_store_idx %arg21[%add3A_60], %gather3A_54 : memref<9984xf32, #tpu.memory_space<vmem>>[vector<16xi32>], vector<16xf32>,
      %add3A_61 = arith.constant 1 : i32
      %add3A_62 = vector.broadcast %add3A_61 : i32 to vector<16xi32>
      %add3A_63 = arith.addi %add3A_60, %add3A_62 : vector<16xi32>
      tpu.vector_store_idx %arg21[%add3A_63], %gather3A_55 : memref<9984xf32, #tpu.memory_space<vmem>>[vector<16xi32>], vector<16xf32>,
      %add3A_64 = arith.constant 2 : i32
      %add3A_65 = vector.broadcast %add3A_64 : i32 to vector<16xi32>
      %add3A_66 = arith.addi %add3A_60, %add3A_65 : vector<16xi32>
      tpu.vector_store_idx %arg21[%add3A_66], %gather3A_56 : memref<9984xf32, #tpu.memory_space<vmem>>[vector<16xi32>], vector<16xf32>,
      %gather3A_67 = tpu.vector_load_idx %arg18[%scan3A_38#6] : memref<1024xf32, #tpu.memory_space<vmem>>[vector<16xi32>], vector<16xf32>,
      %gather3A_68 = tpu.vector_load_idx %arg19[%scan3A_38#6] : memref<1024xf32, #tpu.memory_space<vmem>>[vector<16xi32>], vector<16xf32>,
      %gather3A_69 = tpu.vector_load_idx %arg20[%scan3A_38#6] : memref<1024xf32, #tpu.memory_space<vmem>>[vector<16xi32>], vector<16xf32>,
      %add3A_70 = arith.constant 6 : i32
      %add3A_71 = arith.addi %mul3A_41, %add3A_70 : i32
      %add3A_72 = vector.broadcast %add3A_71 : i32 to vector<16xi32>
      %add3A_73 = arith.addi %mul3A_7, %add3A_72 : vector<16xi32>
      tpu.vector_store_idx %arg21[%add3A_73], %gather3A_67 : memref<9984xf32, #tpu.memory_space<vmem>>[vector<16xi32>], vector<16xf32>,
      %add3A_74 = arith.constant 1 : i32
      %add3A_75 = vector.broadcast %add3A_74 : i32 to vector<16xi32>
      %add3A_76 = arith.addi %add3A_73, %add3A_75 : vector<16xi32>
      tpu.vector_store_idx %arg21[%add3A_76], %gather3A_68 : memref<9984xf32, #tpu.memory_space<vmem>>[vector<16xi32>], vector<16xf32>,
      %add3A_77 = arith.constant 2 : i32
      %add3A_78 = vector.broadcast %add3A_77 : i32 to vector<16xi32>
      %add3A_79 = arith.addi %add3A_73, %add3A_78 : vector<16xi32>
      tpu.vector_store_idx %arg21[%add3A_79], %gather3A_69 : memref<9984xf32, #tpu.memory_space<vmem>>[vector<16xi32>], vector<16xf32>,
      %gather3A_80 = tpu.vector_load_idx %arg18[%scan3A_38#7] : memref<1024xf32, #tpu.memory_space<vmem>>[vector<16xi32>], vector<16xf32>,
      %gather3A_81 = tpu.vector_load_idx %arg19[%scan3A_38#7] : memref<1024xf32, #tpu.memory_space<vmem>>[vector<16xi32>], vector<16xf32>,
      %gather3A_82 = tpu.vector_load_idx %arg20[%scan3A_38#7] : memref<1024xf32, #tpu.memory_space<vmem>>[vector<16xi32>], vector<16xf32>,
      %add3A_83 = arith.constant 9 : i32
      %add3A_84 = arith.addi %mul3A_41, %add3A_83 : i32
      %add3A_85 = vector.broadcast %add3A_84 : i32 to vector<16xi32>
      %add3A_86 = arith.addi %mul3A_7, %add3A_85 : vector<16xi32>
      tpu.vector_store_idx %arg21[%add3A_86], %gather3A_80 : memref<9984xf32, #tpu.memory_space<vmem>>[vector<16xi32>], vector<16xf32>,
      %add3A_87 = arith.constant 1 : i32
      %add3A_88 = vector.broadcast %add3A_87 : i32 to vector<16xi32>
      %add3A_89 = arith.addi %add3A_86, %add3A_88 : vector<16xi32>
      tpu.vector_store_idx %arg21[%add3A_89], %gather3A_81 : memref<9984xf32, #tpu.memory_space<vmem>>[vector<16xi32>], vector<16xf32>,
      %add3A_90 = arith.constant 2 : i32
      %add3A_91 = vector.broadcast %add3A_90 : i32 to vector<16xi32>
      %add3A_92 = arith.addi %add3A_86, %add3A_91 : vector<16xi32>
      tpu.vector_store_idx %arg21[%add3A_92], %gather3A_82 : memref<9984xf32, #tpu.memory_space<vmem>>[vector<16xi32>], vector<16xf32>,
      %scan3A_93 = arith.constant 0 : i32
      scf.yield %scan3A_93 : i32
    }
    %scan3A_16 = arith.constant 52 : i32
    %mul3A_17 = arith.constant 832 : i32
    %mul3A_18 = arith.muli %add3A, %mul3A_17 : i32
    %mul3A_19 = arith.constant 12 : i32
    %mul3A_20 = arith.muli %mul3A_18, %mul3A_19 : i32
    "tpu.region"() ({
      %run_scoped3A = tpu.sem_alloc : memref<!tpu.dma_semaphore, #tpu.memory_space<semaphore_mem>>
      %dma_start3A = tpu.memref_slice %arg11[%mul3A_20] : memref<319488xf32, #tpu.memory_space<hbm>> -> memref<9984xf32, #tpu.memory_space<hbm>>
      %dma_start3A_21 = tpu.memref_slice %arg11[%mul3A_20] : memref<319488xf32, #tpu.memory_space<hbm>> -> memref<9984xf32, #tpu.memory_space<hbm>>
      tpu.enqueue_dma source(%arg21 : memref<9984xf32, #tpu.memory_space<vmem>>) target(%dma_start3A_21 : memref<9984xf32, #tpu.memory_space<hbm>>) target_semaphore(%run_scoped3A : memref<!tpu.dma_semaphore, #tpu.memory_space<semaphore_mem>>)
      %dma_wait3A = tpu.memref_slice %arg11[%mul3A_20] : memref<319488xf32, #tpu.memory_space<hbm>> -> memref<9984xf32, #tpu.memory_space<hbm>>
      %dma_wait3A_22 = tpu.memref_slice %arg11[%mul3A_20] : memref<319488xf32, #tpu.memory_space<hbm>> -> memref<9984xf32, #tpu.memory_space<hbm>>
      tpu.wait_dma2 semaphore(%run_scoped3A : memref<!tpu.dma_semaphore, #tpu.memory_space<semaphore_mem>>) src(%arg21 : memref<9984xf32, #tpu.memory_space<vmem>>) dst(%dma_wait3A_22 : memref<9984xf32, #tpu.memory_space<hbm>>)
      tpu.yield
    }) : () -> ()
    return
  }
}

module attributes {stable_mosaic.version = 14 : i64} {
  func.func @_tc_kernel(%arg0: i32, %arg1: memref<1x1024x3xf32, #tpu.memory_space<vmem>>, %arg2: memref<3x1024xf32, #tpu.memory_space<vmem>>, %arg3: memref<1024x6xf32, #tpu.memory_space<vmem>>, %arg4: memref<1024x12xf32, #tpu.memory_space<vmem>>) attributes {dimension_semantics = [#tpu.dimension_semantics<arbitrary>], iteration_bounds = array<i64: 38>, scalar_prefetch = 0 : i64, scratch_operands = 0 : i64, tpu.core_type = #tpu.core_type<tc>, window_params = [{transform_indices = @transform_0, window_bounds = array<i64: 1, 1024, 3>}, {pipeline_mode = #tpu.pipeline_mode<synchronous>, transform_indices = @transform_1, window_bounds = array<i64: 3, 1024>}, {pipeline_mode = #tpu.pipeline_mode<synchronous>, transform_indices = @transform_2, window_bounds = array<i64: 1024, 6>}, {transform_indices = @transform_3, window_bounds = array<i64: 1024, 12>}]} {
    %get3A = arith.constant 0 : index
    %get3A_0 = arith.constant 0 : index
    %get3A_1 = arith.constant 0 : index
    %get3A_2 = vector.load %arg1[%get3A, %get3A_0, %get3A_1] : memref<1x1024x3xf32, #tpu.memory_space<vmem>>, vector<1x1024x3xf32>
    %get3A_3 = vector.shape_cast %get3A_2 : vector<1x1024x3xf32> to vector<1024x3xf32>
    %get3A_4 = arith.constant 0 : index
    %get3A_5 = arith.constant 0 : index
    %get3A_6 = vector.load %arg2[%get3A_4, %get3A_5] : memref<3x1024xf32, #tpu.memory_space<vmem>>, vector<3x1024xf32>
    %get3A_7 = arith.constant 0 : index
    %get3A_8 = arith.constant 0 : index
    %get3A_9 = vector.load %arg3[%get3A_7, %get3A_8] : memref<1024x6xf32, #tpu.memory_space<vmem>>, vector<1024x6xf32>
    %dot_general3A = arith.constant dense<0.000000e+00> : vector<1024x1024xf32>
    %dot_general3A_10 = tpu.matmul %get3A_3, %get3A_6, %dot_general3A {dimension_numbers = #tpu.dot_dimension_numbers<[1], [0], [0], [1], [0, 0, 1, 1], [], []>, transpose_lhs_hint = false} : vector<1024x3xf32>, vector<3x1024xf32>, vector<1024x1024xf32> -> vector<1024x1024xf32>
    %iota3A = tpu.iota {dimensions = array<i32: 1>} : vector<1024x1024xi32>
    %reduce_max3A = arith.constant dense<0xFF800000> : vector<1024xf32>
    %reduce_max3A_11 = vector.multi_reduction <maximumf>, %dot_general3A_10, %reduce_max3A [1] : vector<1024x1024xf32> to vector<1024xf32>
    %broadcast_in_dim3A = vector.shape_cast %reduce_max3A_11 : vector<1024xf32> to vector<1024x1xf32>
    %eq3A = vector.broadcast %broadcast_in_dim3A : vector<1024x1xf32> to vector<1024x1024xf32>
    %eq3A_12 = arith.cmpf oeq, %dot_general3A_10, %eq3A : vector<1024x1024xf32>
    %jit3A = arith.constant 1024 : i32
    %broadcast_in_dim3A_13 = vector.broadcast %jit3A : i32 to vector<1024x1024xi32>
    %select_n3A = arith.select %eq3A_12, %iota3A, %broadcast_in_dim3A_13 : vector<1024x1024xi1>, vector<1024x1024xi32>
    %reduce_min3A = arith.constant dense<2147483647> : vector<1024xi32>
    %reduce_min3A_14 = vector.multi_reduction <minsi>, %select_n3A, %reduce_min3A [1] : vector<1024x1024xi32> to vector<1024xi32>
    %broadcast_in_dim3A_15 = vector.shape_cast %reduce_min3A_14 : vector<1024xi32> to vector<1024x1xi32>
    %eq3A_16 = vector.broadcast %broadcast_in_dim3A_15 : vector<1024x1xi32> to vector<1024x1024xi32>
    %eq3A_17 = arith.cmpi eq, %iota3A, %eq3A_16 : vector<1024x1024xi32>
    %convert_element_type3A = arith.extui %eq3A_17 : vector<1024x1024xi1> to vector<1024x1024xi32>
    %convert_element_type3A_18 = arith.sitofp %convert_element_type3A : vector<1024x1024xi32> to vector<1024x1024xf32>
    %dot_general3A_19 = arith.constant dense<0.000000e+00> : vector<1024x6xf32>
    %dot_general3A_20 = tpu.matmul %convert_element_type3A_18, %get3A_9, %dot_general3A_19 {dimension_numbers = #tpu.dot_dimension_numbers<[1], [0], [0], [1], [0, 0, 1, 1], [], []>, transpose_lhs_hint = false} : vector<1024x1024xf32>, vector<1024x6xf32>, vector<1024x6xf32> -> vector<1024x6xf32>
    %slice3A = vector.extract_strided_slice %dot_general3A_20 {offsets = [0, 0], sizes = [1024, 3], strides = [1, 1]} : vector<1024x6xf32> to vector<1024x3xf32>
    %slice3A_21 = vector.extract_strided_slice %dot_general3A_20 {offsets = [0, 3], sizes = [1024, 3], strides = [1, 1]} : vector<1024x6xf32> to vector<1024x3xf32>
    %add3A = arith.addf %slice3A, %slice3A_21 : vector<1024x3xf32>
    %jit3A_22 = arith.constant 0xFF800000 : f32
    %broadcast_in_dim3A_23 = vector.broadcast %jit3A_22 : f32 to vector<1024x1024xf32>
    %select_n3A_24 = arith.select %eq3A_17, %broadcast_in_dim3A_23, %dot_general3A_10 : vector<1024x1024xi1>, vector<1024x1024xf32>
    %reduce_max3A_25 = arith.constant dense<0xFF800000> : vector<1024xf32>
    %reduce_max3A_26 = vector.multi_reduction <maximumf>, %select_n3A_24, %reduce_max3A_25 [1] : vector<1024x1024xf32> to vector<1024xf32>
    %broadcast_in_dim3A_27 = vector.shape_cast %reduce_max3A_26 : vector<1024xf32> to vector<1024x1xf32>
    %eq3A_28 = vector.broadcast %broadcast_in_dim3A_27 : vector<1024x1xf32> to vector<1024x1024xf32>
    %eq3A_29 = arith.cmpf oeq, %select_n3A_24, %eq3A_28 : vector<1024x1024xf32>
    %jit3A_30 = arith.constant 1024 : i32
    %broadcast_in_dim3A_31 = vector.broadcast %jit3A_30 : i32 to vector<1024x1024xi32>
    %select_n3A_32 = arith.select %eq3A_29, %iota3A, %broadcast_in_dim3A_31 : vector<1024x1024xi1>, vector<1024x1024xi32>
    %reduce_min3A_33 = arith.constant dense<2147483647> : vector<1024xi32>
    %reduce_min3A_34 = vector.multi_reduction <minsi>, %select_n3A_32, %reduce_min3A_33 [1] : vector<1024x1024xi32> to vector<1024xi32>
    %broadcast_in_dim3A_35 = vector.shape_cast %reduce_min3A_34 : vector<1024xi32> to vector<1024x1xi32>
    %eq3A_36 = vector.broadcast %broadcast_in_dim3A_35 : vector<1024x1xi32> to vector<1024x1024xi32>
    %eq3A_37 = arith.cmpi eq, %iota3A, %eq3A_36 : vector<1024x1024xi32>
    %convert_element_type3A_38 = arith.extui %eq3A_37 : vector<1024x1024xi1> to vector<1024x1024xi32>
    %convert_element_type3A_39 = arith.sitofp %convert_element_type3A_38 : vector<1024x1024xi32> to vector<1024x1024xf32>
    %dot_general3A_40 = arith.constant dense<0.000000e+00> : vector<1024x6xf32>
    %dot_general3A_41 = tpu.matmul %convert_element_type3A_39, %get3A_9, %dot_general3A_40 {dimension_numbers = #tpu.dot_dimension_numbers<[1], [0], [0], [1], [0, 0, 1, 1], [], []>, transpose_lhs_hint = false} : vector<1024x1024xf32>, vector<1024x6xf32>, vector<1024x6xf32> -> vector<1024x6xf32>
    %slice3A_42 = vector.extract_strided_slice %dot_general3A_41 {offsets = [0, 0], sizes = [1024, 3], strides = [1, 1]} : vector<1024x6xf32> to vector<1024x3xf32>
    %slice3A_43 = vector.extract_strided_slice %dot_general3A_41 {offsets = [0, 3], sizes = [1024, 3], strides = [1, 1]} : vector<1024x6xf32> to vector<1024x3xf32>
    %add3A_44 = arith.addf %slice3A_42, %slice3A_43 : vector<1024x3xf32>
    %jit3A_45 = arith.constant 0xFF800000 : f32
    %broadcast_in_dim3A_46 = vector.broadcast %jit3A_45 : f32 to vector<1024x1024xf32>
    %select_n3A_47 = arith.select %eq3A_37, %broadcast_in_dim3A_46, %select_n3A_24 : vector<1024x1024xi1>, vector<1024x1024xf32>
    %reduce_max3A_48 = arith.constant dense<0xFF800000> : vector<1024xf32>
    %reduce_max3A_49 = vector.multi_reduction <maximumf>, %select_n3A_47, %reduce_max3A_48 [1] : vector<1024x1024xf32> to vector<1024xf32>
    %broadcast_in_dim3A_50 = vector.shape_cast %reduce_max3A_49 : vector<1024xf32> to vector<1024x1xf32>
    %eq3A_51 = vector.broadcast %broadcast_in_dim3A_50 : vector<1024x1xf32> to vector<1024x1024xf32>
    %eq3A_52 = arith.cmpf oeq, %select_n3A_47, %eq3A_51 : vector<1024x1024xf32>
    %jit3A_53 = arith.constant 1024 : i32
    %broadcast_in_dim3A_54 = vector.broadcast %jit3A_53 : i32 to vector<1024x1024xi32>
    %select_n3A_55 = arith.select %eq3A_52, %iota3A, %broadcast_in_dim3A_54 : vector<1024x1024xi1>, vector<1024x1024xi32>
    %reduce_min3A_56 = arith.constant dense<2147483647> : vector<1024xi32>
    %reduce_min3A_57 = vector.multi_reduction <minsi>, %select_n3A_55, %reduce_min3A_56 [1] : vector<1024x1024xi32> to vector<1024xi32>
    %broadcast_in_dim3A_58 = vector.shape_cast %reduce_min3A_57 : vector<1024xi32> to vector<1024x1xi32>
    %eq3A_59 = vector.broadcast %broadcast_in_dim3A_58 : vector<1024x1xi32> to vector<1024x1024xi32>
    %eq3A_60 = arith.cmpi eq, %iota3A, %eq3A_59 : vector<1024x1024xi32>
    %convert_element_type3A_61 = arith.extui %eq3A_60 : vector<1024x1024xi1> to vector<1024x1024xi32>
    %convert_element_type3A_62 = arith.sitofp %convert_element_type3A_61 : vector<1024x1024xi32> to vector<1024x1024xf32>
    %dot_general3A_63 = arith.constant dense<0.000000e+00> : vector<1024x6xf32>
    %dot_general3A_64 = tpu.matmul %convert_element_type3A_62, %get3A_9, %dot_general3A_63 {dimension_numbers = #tpu.dot_dimension_numbers<[1], [0], [0], [1], [0, 0, 1, 1], [], []>, transpose_lhs_hint = false} : vector<1024x1024xf32>, vector<1024x6xf32>, vector<1024x6xf32> -> vector<1024x6xf32>
    %slice3A_65 = vector.extract_strided_slice %dot_general3A_64 {offsets = [0, 0], sizes = [1024, 3], strides = [1, 1]} : vector<1024x6xf32> to vector<1024x3xf32>
    %slice3A_66 = vector.extract_strided_slice %dot_general3A_64 {offsets = [0, 3], sizes = [1024, 3], strides = [1, 1]} : vector<1024x6xf32> to vector<1024x3xf32>
    %add3A_67 = arith.addf %slice3A_65, %slice3A_66 : vector<1024x3xf32>
    %jit3A_68 = arith.constant 0xFF800000 : f32
    %broadcast_in_dim3A_69 = vector.broadcast %jit3A_68 : f32 to vector<1024x1024xf32>
    %select_n3A_70 = arith.select %eq3A_60, %broadcast_in_dim3A_69, %select_n3A_47 : vector<1024x1024xi1>, vector<1024x1024xf32>
    %reduce_max3A_71 = arith.constant dense<0xFF800000> : vector<1024xf32>
    %reduce_max3A_72 = vector.multi_reduction <maximumf>, %select_n3A_70, %reduce_max3A_71 [1] : vector<1024x1024xf32> to vector<1024xf32>
    %broadcast_in_dim3A_73 = vector.shape_cast %reduce_max3A_72 : vector<1024xf32> to vector<1024x1xf32>
    %eq3A_74 = vector.broadcast %broadcast_in_dim3A_73 : vector<1024x1xf32> to vector<1024x1024xf32>
    %eq3A_75 = arith.cmpf oeq, %select_n3A_70, %eq3A_74 : vector<1024x1024xf32>
    %jit3A_76 = arith.constant 1024 : i32
    %broadcast_in_dim3A_77 = vector.broadcast %jit3A_76 : i32 to vector<1024x1024xi32>
    %select_n3A_78 = arith.select %eq3A_75, %iota3A, %broadcast_in_dim3A_77 : vector<1024x1024xi1>, vector<1024x1024xi32>
    %reduce_min3A_79 = arith.constant dense<2147483647> : vector<1024xi32>
    %reduce_min3A_80 = vector.multi_reduction <minsi>, %select_n3A_78, %reduce_min3A_79 [1] : vector<1024x1024xi32> to vector<1024xi32>
    %broadcast_in_dim3A_81 = vector.shape_cast %reduce_min3A_80 : vector<1024xi32> to vector<1024x1xi32>
    %eq3A_82 = vector.broadcast %broadcast_in_dim3A_81 : vector<1024x1xi32> to vector<1024x1024xi32>
    %eq3A_83 = arith.cmpi eq, %iota3A, %eq3A_82 : vector<1024x1024xi32>
    %convert_element_type3A_84 = arith.extui %eq3A_83 : vector<1024x1024xi1> to vector<1024x1024xi32>
    %convert_element_type3A_85 = arith.sitofp %convert_element_type3A_84 : vector<1024x1024xi32> to vector<1024x1024xf32>
    %dot_general3A_86 = arith.constant dense<0.000000e+00> : vector<1024x6xf32>
    %dot_general3A_87 = tpu.matmul %convert_element_type3A_85, %get3A_9, %dot_general3A_86 {dimension_numbers = #tpu.dot_dimension_numbers<[1], [0], [0], [1], [0, 0, 1, 1], [], []>, transpose_lhs_hint = false} : vector<1024x1024xf32>, vector<1024x6xf32>, vector<1024x6xf32> -> vector<1024x6xf32>
    %slice3A_88 = vector.extract_strided_slice %dot_general3A_87 {offsets = [0, 0], sizes = [1024, 3], strides = [1, 1]} : vector<1024x6xf32> to vector<1024x3xf32>
    %slice3A_89 = vector.extract_strided_slice %dot_general3A_87 {offsets = [0, 3], sizes = [1024, 3], strides = [1, 1]} : vector<1024x6xf32> to vector<1024x3xf32>
    %add3A_90 = arith.addf %slice3A_88, %slice3A_89 : vector<1024x3xf32>
    %concatenate3A = tpu.concatenate %add3A, %add3A_44, %add3A_67, %add3A_90 in 1 : vector<1024x3xf32>, vector<1024x3xf32>, vector<1024x3xf32>, vector<1024x3xf32> -> vector<1024x12xf32>
    %swap3A = arith.constant 0 : index
    %swap3A_91 = arith.constant 0 : index
    %swap3A_92 = vector.load %arg4[%swap3A, %swap3A_91] : memref<1024x12xf32, #tpu.memory_space<vmem>>, vector<1024x12xf32>
    tpu.vector_store %arg4[%swap3A, %swap3A_91], %concatenate3A {strides = array<i32>} : memref<1024x12xf32, #tpu.memory_space<vmem>>, vector<1024x12xf32>,
    return
  }
  func.func @transform_0(%arg0: i32) -> (i32, i32, i32) {
    %c0_i32 = arith.constant 0 : i32
    %c0_i32_0 = arith.constant 0 : i32
    %c0_i32_1 = arith.constant 0 : i32
    return %arg0, %c0_i32, %c0_i32_0 : i32, i32, i32
  }
  func.func @transform_1(%arg0: i32) -> (i32, i32) {
    %c0_i32 = arith.constant 0 : i32
    %c0_i32_0 = arith.constant 0 : i32
    %c0_i32_1 = arith.constant 0 : i32
    return %c0_i32, %c0_i32_0 : i32, i32
  }
  func.func @transform_2(%arg0: i32) -> (i32, i32) {
    %c0_i32 = arith.constant 0 : i32
    %c0_i32_0 = arith.constant 0 : i32
    %c0_i32_1 = arith.constant 0 : i32
    return %c0_i32, %c0_i32_0 : i32, i32
  }
  func.func @transform_3(%arg0: i32) -> (i32, i32) {
    %c0_i32 = arith.constant 0 : i32
    %c0_i32_0 = arith.constant 0 : i32
    return %arg0, %c0_i32 : i32, i32
  }
}

</mosaic_0001>

<sc_bundles>
// kernel: kernel.4.cloned.1.call-start
scs
__scs_entry_jumppad:
0x0: {  	(pc) =	sbr.rel $0x88, $3  }
0x1: {  	(tag) =	ssettag $0x0;
	lr =	simm.s32 $0x1  }
0x2: {  	[smem:$0x3F9F] =	sst lr;
	_ =	strace $0xD0000000  }
0x3: {  	_ = 	snop  }
0x4: {  	_ = 	snop  }
0x5: {  	_ = 	snop  }
0x6: {  	_ = 	snop  }
0x7: {  	_ = 	snop  }
__scs_overlays_trampoline_lowered:
0x8: {  	[smem:$0x3FAE] =	sst s0  }
0x9: {  	[smem:$0x3FAF] =	sst s1  }
0xa: {  	[smem:$0x3FB0] =	sst s2  }
0xb: {  	[smem:$0x3FB1] =	sst s3  }
0xc: {  	[smem:$0x3FB2] =	sst s4  }
0xd: {  	[smem:$0x3FB3] =	sst s5  }
0xe: {  	[smem:$0x3FB4] =	sst s6  }
0xf: {  	[smem:$0x3FB5] =	sst s7  }
0x10: {  	[smem:$0x3FB6] =	sst s8  }
0x11: {  	[smem:$0x3FB7] =	sst s9;
	s0 =	simm.s32 @!p0 $0x0  }
0x12: {  	s1 =	sld [smem:$0x3F9D];
	s0 =	simm.s32 @p0 $0x1  }
0x13: {  	[smem:$0x3FB8] =	sst s0;
	s0 =	simm.s32 @!p1 $0x0  }
0x14: {  	s2 =	sld [smem:$0x3F9C];
	s0 =	simm.s32 @p1 $0x1  }
0x15: {  	[smem:$0x3FB9] =	sst s0;
	s0 =	simm.s32 @!p2 $0x0  }
0x16: {  	s3 =	sld [smem:$0x3FDB];
	s0 =	simm.s32 @p2 $0x1  }
0x17: {  	s4 =	simm.s32 $0x1BF5;
	[smem:$0x3FBB] =	sst s0  }
0x18: {  	s0 =	sld [smem:$0x3F9E];
	_ =	swait.ge [sflag:s4], $0x0  }
0x19: {  	s7 =	sld [smem:$0x3F9F]  }
0x1a: {  	s8 =	sadd.s32 $0xFFFFE003, lr  }
0x1b: {  	s9 =	sadd.s32 $0xFFFFFEF7, lr;
	s5 =	simm.s32 $0xFFFFFFFF;
	p2 =	slt.u32 s8, $0xFFFFF086  }
0x1c: {  	p1 =	slt.u32 s9, $0xF7A;
	s5 =	simm.s32 @!p2 $0x0  }
0x1d: {  	s5 =	simm.s32 @p1 $0x1;
	p0 =	seq.s32 s7, s2  }
0x1e: {  	s7 =	smul.u32 @!p0 $0xF7A, s2;
	p2 =	seq.s32 @!p0 s5, $0x0  }
0x1f: {  	s9 =	smul.u32 $0xF7A, s1;
	s8 =	simm.s32 @!p0 $0x1BF5;
	p2 =	por !p2, p0  }
0x20: {  	[sflag:s8] =	ssyncset.s32 @!p0 $0xFFFFF086;
	s6 =	sadd.s32 @!p0 s3, s7;
	s7 =	simm.s32 @!p0 $0x108  }
0x21: {  	s3 =	sadd.s32 s3, s9;
	s6 =	sadd.s32 @!p0 $0x88, s6;
	s7 =	simm.s32 @p2 $0x1082  }
0x22: {  	[simem:s7], [sflag:s8] =	dma.local @!p0 [hbm:s6], $0xF7A  }
0x23: {  	s9 =	sor.u32 $0xD0000000, s2;
	s6 =	simm.s32 $0x108;
	_ =	swait.ge @!p0 [sflag:s8], $0x0  }
0x24: {  	s3 =	sadd.s32 $0x88, s3;
	s6 =	simm.s32 @!p1 $0x1082;
	[sflag:s4] =	ssyncset.s32 $0xFFFFF086  }
0x25: {  	[simem:s6], [sflag:s4] =	dma.local [hbm:s3], $0xF7A  }
0x26: {  	[smem:$0x3F9F] =	sst s1;
	(tag) =	ssettag s2;
	_ =	strace s9  }
0x27: {  	s1 =	sld [smem:$0x3FAF]  }
0x28: {  	s2 =	sld [smem:$0x3FB0]  }
0x29: {  	s4 =	sld [smem:$0x3FB2]  }
0x2a: {  	p0 =	seq.s32 s5, $0x0;
	s5 =	sld [smem:$0x3FB3]  }
0x2b: {  	s6 =	sld [smem:$0x3FB4]  }
0x2c: {  	s7 =	sld [smem:$0x3FB5]  }
0x2d: {  	s3 =	simm.s32 $0x108;
	s8 =	sld [smem:$0x3FB6]  }
0x2e: {  	s3 =	simm.s32 @!p0 $0x1082;
	s9 =	sld [smem:$0x3FB7]  }
0x2f: {  	lr =	sadd.s32 s0, s3;
	s0 =	sld [smem:$0x3FAE]  }
0x30: {  	s3 =	sld [smem:$0x3FB1]  }
0x31: {  	[smem:$0x3FBA] =	sst s10  }
0x32: {  	s10 =	sld [smem:$0x3FB8];
	_ =	sdelay $0x3  }
0x33: {  	p0 =	seq.s32 s10, $0x1;
	s10 =	sld [smem:$0x3FBA];
	_ =	sdelay $0x3  }
0x34: {  	[smem:$0x3FBA] =	sst s10  }
0x35: {  	s10 =	sld [smem:$0x3FB9];
	_ =	sdelay $0x3  }
0x36: {  	p1 =	seq.s32 s10, $0x1;
	s10 =	sld [smem:$0x3FBA];
	_ =	sdelay $0x3  }
0x37: {  	[smem:$0x3FBA] =	sst s10  }
0x38: {  	s10 =	sld [smem:$0x3FBB]  }
0x39: {  	_ = 	snop;
	(pc) =	sbr.ind lr, $3  }
0x3a: {  	_ = 	snop  }
0x3b: {  	_ = 	snop  }
0x3c: {  	p2 =	seq.s32 s10, $0x1;
	s10 =	sld [smem:$0x3FBA]  }
0x3d: {  	_ =	shalt  }
0x3e: {  	_ =	shalt  }
0x3f: {  	_ =	shalt  }
0x40: {  	_ =	shalt  }
0x41: {  	_ =	shalt  }
0x42: {  	_ =	shalt  }
0x43: {  	_ =	shalt  }
0x44: {  	_ =	shalt  }
0x45: {  	_ =	shalt  }
0x46: {  	_ =	shalt  }
0x47: {  	_ =	shalt  }
0x48: {  	_ =	shalt  }
0x49: {  	_ =	shalt  }
0x4a: {  	_ =	shalt  }
0x4b: {  	_ =	shalt  }
0x4c: {  	_ =	shalt  }
0x4d: {  	_ =	shalt  }
0x4e: {  	_ =	shalt  }
0x4f: {  	_ =	shalt  }
0x50: {  	_ =	shalt  }
0x51: {  	_ =	shalt  }
0x52: {  	_ =	shalt  }
0x53: {  	_ =	shalt  }
0x54: {  	_ =	shalt  }
0x55: {  	_ =	shalt  }
0x56: {  	_ =	shalt  }
0x57: {  	_ =	shalt  }
0x58: {  	_ =	shalt  }
0x59: {  	_ =	shalt  }
0x5a: {  	_ =	shalt  }
0x5b: {  	_ =	shalt  }
0x5c: {  	_ =	shalt  }
0x5d: {  	_ =	shalt  }
0x5e: {  	_ =	shalt  }
0x5f: {  	_ =	shalt  }
0x60: {  	_ =	shalt  }
0x61: {  	_ =	shalt  }
0x62: {  	_ =	shalt  }
0x63: {  	_ =	shalt  }
0x64: {  	_ =	shalt  }
0x65: {  	_ =	shalt  }
0x66: {  	_ =	shalt  }
0x67: {  	_ =	shalt  }
0x68: {  	_ =	shalt  }
0x69: {  	_ =	shalt  }
0x6a: {  	_ =	shalt  }
0x6b: {  	_ =	shalt  }
0x6c: {  	_ =	shalt  }
0x6d: {  	_ =	shalt  }
0x6e: {  	_ =	shalt  }
0x6f: {  	_ =	shalt  }
0x70: {  	_ =	shalt  }
0x71: {  	_ =	shalt  }
0x72: {  	_ =	shalt  }
0x73: {  	_ =	shalt  }
0x74: {  	_ =	shalt  }
0x75: {  	_ =	shalt  }
0x76: {  	_ =	shalt  }
0x77: {  	_ =	shalt  }
0x78: {  	_ =	shalt  }
0x79: {  	_ =	shalt  }
0x7a: {  	_ =	shalt  }
0x7b: {  	_ =	shalt  }
0x7c: {  	_ =	shalt  }
0x7d: {  	_ =	shalt  }
0x7e: {  	_ =	shalt  }
0x7f: {  	_ =	shalt  }
0x80: {  	_ =	shalt  }
0x81: {  	_ =	shalt  }
0x82: {  	_ =	shalt  }
0x83: {  	_ =	shalt  }
0x84: {  	_ =	shalt  }
0x85: {  	_ =	shalt  }
0x86: {  	_ =	shalt  }
0x87: {  	_ =	shalt  }
.Lfunc_end0:
.L_simem_size_0:
called_computation_lowered:
.L_overlay_start_0:
0x88: {  	s2 =	sld [smem:$0x3FD9]  }
0x89: {  	s3 =	sld [smem:$0x3FFE];
	_ =	sdelay $0x1  }
0x8a: {  	s1 =	srdreg.scid  }
0x8b: {  	s0 =	sand.u32 $0x1, s1  }
0x8c: {  	s17 =	sshll.u32 s0, $0xA;
	s2 =	sadd.s32 s3, s2  }
0x8d: {  	s2 =	sadd.s32 s2, s17  }
0x8e: {  	[smem:$0x3FC6] =	sst s2  }
0x8f: {  	_ = 	snop  }
0x90: {  	s2 =	sld [smem:$0x3FD0];
	(tm) =	ssettm $0x1  }
0x91: {  	s18 =	sld [smem:$0x3FFB];
	_ =	sdelay $0x3  }
0x92: {  	_ =	strace s18  }
0x93: {  	s3 =	sld [smem:$0x3FFC];
	_ =	sdelay $0x3  }
0x94: {  	_ =	strace s3  }
0x95: {  	s3 =	sld [smem:$0x3FFD];
	_ =	sdelay $0x3  }
0x96: {  	_ =	strace s3  }
0x97: {  	_ =	strace $0x8FFFFFFF  }
0x98: {  	s19 =	sld [smem:$0x3FDB];
	_ =	sdelay $0x1  }
0x99: {  	s4 =	simm.s32 $_scs_section_size  }
0x9a: {  	s5 =	simm.s32 $_size__tile_overlayer_lowered;
	s6 =	simm.s32 $_tile_overlayer_lowered  }
0x9b: {  	s22 =	simm.s32 $0x1BFF;
	s21 =	sshll.u32 s6, $0x1;
	s3 =	sadd.s32 s4, s19  }
0x9c: {  	s7 =	simm.s32 $0x0;
	s20 =	sshll.u32 s5, $0x1;
	s5 =	sadd.s32 s21, s3  }
0x9d: {  	[timem:s7], [sflag:s22] =	dma.local [hbm:s5], s20  }
0x9e: {  	_ =	swait.ge [sflag:s22], s20  }
0x9f: {  	s4 =	ssub.s32 $0x0, s20;
	[sflag:s22] =	ssyncset.done $0x0  }
0xa0: {  	[sflag:s22] =	ssyncadd.s32 s4;
	_ =	sdelay $0x1  }
0xa1: {  	s23 =	simm.s32 $0x1B8B  }
0xa2: {  	_ =	swait.ge [sflag:s23], $0x1  }
0xa3: {  	[sflag:s23] =	ssyncset.done $0x0  }
0xa4: {  	s25 =	simm.s32 $0x1B8E;
	s24 =	sld [smem:$0x3FFE];
	[sflag:s23] =	ssyncadd.s32 $0xFFFFFFFF  }
0xa5: {  	s26 =	simm.s32 $execute0_lowered;
	[smem:$0x3FD2] =	sst s25  }
0xa6: {  	s5 =	sshll.u32 s26, $0x1;
	_ =	strace $0x80000046;
	[dreg:$0x1] =	wrdreg $0xFFFFFFFF  }
0xa7: {  	s28 =	simm.s32 $_size_execute0_lowered;
	s3 =	sadd.s32 s3, s5;
	[dreg:$0x0] =	wrdreg $0x0  }
0xa8: {  	s5 =	sshll.u32 s28, $0x1;
	[dreg:$0x2] =	wrdreg s3  }
0xa9: {  	[dreg:$0x3] =	wrdreg s5  }
0xaa: {  	[dreg:$0x4] =	wrdreg $0xC0  }
0xab: {  	_ =	task [dreg:s7], $0x5FFFF  }
0xac: {  	[dreg:$0x1] =	wrdreg $0xFFFFFFFF  }
0xad: {  	[dreg:$0x0] =	wrdreg $0x60  }
0xae: {  	[dreg:$0x2] =	wrdreg s24  }
0xaf: {  	[dreg:$0x3] =	wrdreg s2  }
0xb0: {  	[dreg:$0x4] =	wrdreg $0x9  }
0xb1: {  	_ =	task.clear_ibuf [dreg:s7], $0x5FFFF;
	_ =	strace $0x90000046  }
0xb2: {  	s29 =	simm.s32 $0x9;
	_ =	strace $0x80000048  }
0xb3: {  	_ =	swait.ge [sflag:s29], $0x1  }
0xb4: {  	[sflag:s29] =	ssyncadd.s32 $0xFFFFFFFF  }
0xb5: {  	_ =	strace $0x90000048  }
0xb6: {  	_ =	sfence  }
0xb7: {  	s30 =	sld [smem:$0x0];
	_ =	sdelay $0x2  }
0xb8: {  	s31 =	sshll.u32 s1, $0xD;
	s1 =	sshrl.u32 s1, $0x2  }
0xb9: {  	s3 =	sand.u32 $0x4000, s31;
	s1 =	sadd.s32 s1, s30  }
0xba: {  	s0 =	sor.u32 s3, s0;
	s1 =	sshll.u32 s1, $0x11  }
0xbb: {  	s0 =	sor.u32 s1, s0  }
0xbc: {  	s0 =	sadd.s32 $0x8F2B, s0  }
0xbd: {  	[sflag:s0] =	ssyncadd.remote.s32 $0x1  }
0xbe: {  	_ =	sfence.sel $0xFFFF  }
0xbf: {  	[dreg:$0x0] =	wrdreg $0xFFFFFFFF;
	(pc) =	sbr.abs _section_cstart, $3  }
0xc0: {  	[dreg:$0x1] =	wrdreg $0xFFFFFFFF  }
0xc1: {  	_ =	task.clear_ibuf [dreg:s7], $0x2FFFF;
	_ =	strace $0x9FFFFFFF  }
0xc2: {  	(tm) =	ssettm $0x7FFFFFFF  }
0xc3: {  	_ =	shalt  }
tec
execute0_lowered:
.L_overlay_start_1:
0x0: {  	(tag) =	ssettag $0x1  }
0x1: {  	s8 =	rddreg [dreg:$0x0]  }
0x2: {  	s12 =	rddreg [dreg:$0x1]  }
0x3: {  	s0 =	rddreg [dreg:$0x2];
	s3 =	srdreg.scid  }
0x4: {  	s1 =	stileid.u32;
	s2 =	simm.s32 $0x0;
	s15 =	simm.s32 $0x380  }
0x5: {  	s16 =	simm.s32 $0x700;
	s17 =	simm.s32 $0xA80;
	s18 =	simm.s32 $0x4A80  }
0x6: {  	s19 =	simm.s32 $0x8A80;
	s20 =	simm.s32 $0xCA80;
	s21 =	simm.s32 $0xCE80  }
0x7: {  	s22 =	simm.s32 $0xD280;
	s23 =	simm.s32 $0xD680;
	s24 =	simm.s32 $0x0  }
0x8: {  	s9 =	sand.u32 $0x1, s3;
	s31 =	sshll.u32 s1, $0x1;
	[smem:$0x7FF] =	sst s2  }
0x9: {  	s3 =	sadd.s32 $0x1200, s8;
	s4 =	sadd.s32 $0x8200, s8;
	s10 =	sor.u32 s9, s31  }
0xa: {  	s5 =	sadd.s32 $0x7A00, s8;
	s9 =	ssub.s32 $0x2, s9;
	s11 =	smul.u32 $0x340, s10  }
0xb: {  	s6 =	sadd.s32 $0x1000, s8;
	s13 =	sshrl.u32 s9, $0x1;
	s14 =	smul.u32 $0x4E0, s10  }
0xc: {  	s7 =	sadd.s32 $0xE00, s8;
	_ =	strace $0x80000047;
	s13 =	ssub.s32 s9, s13  }
0xd: {  	s11 =	sshrl.u32 s11, $0x3;
	s12 =	sadd.s32 s12, s14;
	s13 =	smax.u32 s13, $0x1  }
0xe: {  	v0 =	vlaneseq.u32;
	s14 =	simm.s32 $0x1;
	s11 =	sadd.s32 s8, s11;
	s8 =	sadd.s32 $0xC00, s8  }
0xf: {  	v0 =	vmul.u32 $0xC, v0;
	s9 =	sadd.s32 $0x6D00, s11;
	s10 =	sadd.s32 $0x4D00, s11;
	s11 =	sadd.s32 $0x2D00, s11  }
.LBB2_1:
0x10: {  	[tilespmem:s2], [sflag:$0x1] =	stream.linear.gather [hbm4b:s9+s2], $0x340, $0x38;
	[tilespmem:$0xFD80] =	vst v63  }
0x11: {  	_ =	swait.ge [sflag:s14], $0x340  }
0x12: {  	[sflag:s14] =	ssyncset.done $0x0  }
0x13: {  	[sflag:s14] =	ssyncadd.s32 $0xFFFFFCC0  }
0x14: {  	[tilespmem:s15], [sflag:$0x1] =	stream.linear.gather [hbm4b:s10+s2], $0x340, $0x38;
	[tilespmem:$0xFD80] =	vst v63  }
0x15: {  	_ =	swait.ge [sflag:s14], $0x340  }
0x16: {  	[sflag:s14] =	ssyncset.done $0x0  }
0x17: {  	[sflag:s14] =	ssyncadd.s32 $0xFFFFFCC0  }
0x18: {  	[tilespmem:s16], [sflag:$0x1] =	stream.linear.gather [hbm4b:s11+s2], $0x340, $0x38;
	[tilespmem:$0xFD80] =	vst v63  }
0x19: {  	_ =	swait.ge [sflag:s14], $0x340  }
0x1a: {  	[sflag:s14] =	ssyncset.done $0x0  }
0x1b: {  	[sflag:s14] =	ssyncadd.s32 $0xFFFFFCC0  }
0x1c: {  	[tilespmem:s17], [sflag:$0x1] =	stream.linear.gather [hbm4b:s3+s2], $0x4000, $0x38;
	[tilespmem:$0xFD80] =	vst v63  }
0x1d: {  	_ =	swait.ge [sflag:s14], $0x4000  }
0x1e: {  	[sflag:s14] =	ssyncset.done $0x0  }
0x1f: {  	[sflag:s14] =	ssyncadd.s32 $0xFFFFC000  }
0x20: {  	[tilespmem:s18], [sflag:$0x1] =	stream.linear.gather [hbm4b:s4+s2], $0x4000, $0x38;
	[tilespmem:$0xFD80] =	vst v63  }
0x21: {  	_ =	swait.ge [sflag:s14], $0x4000  }
0x22: {  	[sflag:s14] =	ssyncset.done $0x0  }
0x23: {  	[sflag:s14] =	ssyncadd.s32 $0xFFFFC000  }
0x24: {  	[tilespmem:s19], [sflag:$0x1] =	stream.linear.gather [hbm4b:s5+s2], $0x4000, $0x38;
	[tilespmem:$0xFD80] =	vst v63  }
0x25: {  	_ =	swait.ge [sflag:s14], $0x4000  }
0x26: {  	[sflag:s14] =	ssyncset.done $0x0  }
0x27: {  	[sflag:s14] =	ssyncadd.s32 $0xFFFFC000  }
0x28: {  	[tilespmem:s20], [sflag:$0x1] =	stream.linear.gather [hbm4b:s6+s2], $0x400, $0x38;
	[tilespmem:$0xFD80] =	vst v63  }
0x29: {  	_ =	swait.ge [sflag:s14], $0x400  }
0x2a: {  	[sflag:s14] =	ssyncset.done $0x0  }
0x2b: {  	[sflag:s14] =	ssyncadd.s32 $0xFFFFFC00  }
0x2c: {  	[tilespmem:s21], [sflag:$0x1] =	stream.linear.gather [hbm4b:s7+s2], $0x400, $0x38;
	[tilespmem:$0xFD80] =	vst v63  }
0x2d: {  	_ =	swait.ge [sflag:s14], $0x400  }
0x2e: {  	[sflag:s14] =	ssyncset.done $0x0  }
0x2f: {  	[sflag:s14] =	ssyncadd.s32 $0xFFFFFC00  }
0x30: {  	[tilespmem:s22], [sflag:$0x1] =	stream.linear.gather [hbm4b:s8+s2], $0x400, $0x38;
	[tilespmem:$0xFD80] =	vst v63  }
0x31: {  	_ =	swait.ge [sflag:s14], $0x400  }
0x32: {  	[sflag:s14] =	ssyncset.done $0x0  }
0x33: {  	s25 =	simm.s32 $0x0;
	[sflag:s14] =	ssyncadd.s32 $0xFFFFFC00  }
.LBB2_2:
0x34: {  	s28 =	sshll.u32 s25, $0x4  }
0x35: {  	v9 =	vimm.f32 $-Inf;
	v5 =	vimm.s32 $0x0;
	v1 =	vld [tilespmem:s28+$0x0]  }
0x36: {  	s26 =	simm.s32 $0x0;
	v6 =	vimm.s32 $0x0;
	v7 =	vimm.s32 $0x0;
	v8 =	vimm.s32 $0x0;
	v2 =	vld [tilespmem:s28+$0x380]  }
0x37: {  	s29 =	simm.s32 $0x4B00;
	s30 =	simm.s32 $0xB00;
	v10 =	vimm.f32 $-Inf;
	v11 =	vimm.f32 $-Inf;
	v12 =	vimm.f32 $-Inf;
	v3 =	vld [tilespmem:s28+$0x700];
	s28 =	simm.s32 $0x8B00  }
.LBB2_3:
0x38: {  	v4 =	vld [tilespmem:s30+$0xFFFFFF80]  }
0x39: {  	v13 =	vld [tilespmem:s29+$0xFFFFFF80];
	_ =	sdelay $0x1  }
0x3a: {  	v14 =	vld [tilespmem:s28+$0xFFFFFF80]  }
0x3b: {  	v15 =	vld [tilespmem:s29+$0xFFFFFF90]  }
0x3c: {  	v18 =	vld [tilespmem:s29+$0xFFFFFFA0]  }
0x3d: {  	v55 =	vld [tilespmem:s28+$0x60];
	v4 =	vmul.f32 v4, v1;
	v13 =	vmul.f32 v13, v2;
	_ =	sdelay $0x1  }
0x3e: {  	v4 =	vadd.f32 v13, v4;
	v13 =	vmul.f32 v14, v3  }
0x3f: {  	v14 =	vld [tilespmem:s30+$0xFFFFFF90]  }
0x40: {  	v21 =	vld [tilespmem:s29+$0xFFFFFFB0];
	v15 =	vmul.f32 v15, v2;
	v13 =	vadd.f32 v13, v4  }
0x41: {  	v16 =	vld [tilespmem:s28+$0xFFFFFF90];
	v18 =	vmul.f32 v18, v2;
	v57 =	vmul.f32 v55, v3;
	v4 =	vmov s26  }
0x42: {  	vm0 =	vgt.f32 v13, v12;
	vm1 =	vgt.f32 v13, v11;
	vm2 =	vgt.f32 v13, v10  }
0x43: {  	v59 =	vld [tilespmem:s30+$0xFFFFFFA0];
	vm3 =	vgt.f32 v13, v9;
	v17 =	vmin.f32 v12, v13;
	v12 =	vmax.f32 v12, v13  }
0x44: {  	v13 =	vmin.f32 v11, v17;
	v14 =	vmul.f32 v14, v1;
	v11 =	vmax.f32 v11, v17  }
0x45: {  	v63 =	vld [tilespmem:s30+$0xFFFFFFB0];
	v17 =	vmul.f32 v21, v2;
	v58 =	vmin.f32 v10, v13;
	v10 =	vmax.f32 v10, v13  }
0x46: {  	v13 =	vnsel vm0, s26, v8;
	v14 =	vadd.f32 v15, v14;
	v15 =	vmul.f32 v16, v3  }
0x47: {  	v8 =	vsel vm0, s26, v8;
	v60 =	vsel vm1, v7, v13;
	v7 =	vsel vm1, v13, v7  }
0x48: {  	v16 =	vmul.f32 v59, v1;
	v13 =	vsel vm2, v6, v60;
	v14 =	vadd.f32 v15, v14  }
0x49: {  	v9 =	vmax.f32 v9, v58;
	v6 =	vsel vm2, v60, v6;
	v5 =	vsel vm3, v13, v5;
	v15 =	vld [tilespmem:s28+$0xFFFFFFA0]  }
0x4a: {  	v23 =	vld [tilespmem:s30+$0xFFFFFFC0];
	v16 =	vadd.f32 v18, v16;
	v18 =	vmul.f32 v63, v1;
	vm6 =	vgt.f32 v14, v12  }
0x4b: {  	vm7 =	vgt.f32 v14, v11;
	vm8 =	vgt.f32 v14, v10;
	v61 =	vmin.f32 v12, v14  }
0x4c: {  	vm9 =	vgt.f32 v14, v9;
	v12 =	vmax.f32 v12, v14;
	v14 =	vmin.f32 v11, v61  }
0x4d: {  	v13 =	vor.u32 $0x1, v4;
	v17 =	vadd.f32 v17, v18;
	v62 =	vmin.f32 v10, v14  }
0x4e: {  	v10 =	vmax.f32 v10, v14;
	v14 =	vsel vm6, v8, v13;
	v15 =	vmul.f32 v15, v3  }
0x4f: {  	v18 =	vmul.f32 v23, v1;
	v8 =	vsel vm6, v13, v8;
	v13 =	vsel vm7, v7, v14  }
0x50: {  	v24 =	vld [tilespmem:s29+$0xFFFFFFC0];
	v7 =	vsel vm7, v14, v7;
	v14 =	vsel vm8, v6, v13;
	v15 =	vadd.f32 v15, v16  }
0x51: {  	v11 =	vmax.f32 v11, v61;
	v9 =	vmax.f32 v9, v62;
	v5 =	vsel vm9, v14, v5;
	v14 =	vld [tilespmem:s28+$0xFFFFFFB0]  }
0x52: {  	v6 =	vsel vm8, v13, v6;
	v13 =	vor.u32 $0x2, v4;
	vm10 =	vgt.f32 v15, v12  }
0x53: {  	vm11 =	vgt.f32 v15, v11;
	vm12 =	vgt.f32 v15, v10;
	v16 =	vmin.f32 v12, v15  }
0x54: {  	v26 =	vld [tilespmem:s30+$0xFFFFFFD0];
	vm13 =	vgt.f32 v15, v9;
	v12 =	vmax.f32 v12, v15;
	v15 =	vmin.f32 v11, v16  }
0x55: {  	v11 =	vmax.f32 v11, v16;
	v16 =	vmul.f32 v24, v2;
	v22 =	vmin.f32 v10, v15  }
0x56: {  	v10 =	vmax.f32 v10, v15;
	v15 =	vsel vm10, v8, v13;
	v14 =	vmul.f32 v14, v3  }
0x57: {  	v8 =	vsel vm10, v13, v8;
	v9 =	vmax.f32 v9, v22;
	v13 =	vsel vm11, v7, v15  }
0x58: {  	v27 =	vld [tilespmem:s29+$0xFFFFFFD0];
	v7 =	vsel vm11, v15, v7;
	v15 =	vsel vm12, v6, v13;
	v14 =	vadd.f32 v14, v17  }
0x59: {  	v16 =	vadd.f32 v16, v18;
	v18 =	vmul.f32 v26, v1;
	v5 =	vsel vm13, v15, v5;
	v15 =	vld [tilespmem:s28+$0xFFFFFFC0]  }
0x5a: {  	v6 =	vsel vm12, v13, v6;
	v13 =	vor.u32 $0x3, v4;
	vm14 =	vgt.f32 v14, v12  }
0x5b: {  	vm15 =	vgt.f32 v14, v11;
	vm6 =	vgt.f32 v14, v10;
	v17 =	vmin.f32 v12, v14  }
0x5c: {  	v29 =	vld [tilespmem:s30+$0xFFFFFFE0];
	vm7 =	vgt.f32 v14, v9;
	v12 =	vmax.f32 v12, v14;
	v14 =	vmin.f32 v11, v17  }
0x5d: {  	v11 =	vmax.f32 v11, v17;
	v17 =	vmul.f32 v27, v2;
	v25 =	vmin.f32 v10, v14  }
0x5e: {  	v10 =	vmax.f32 v10, v14;
	v14 =	vsel vm14, v8, v13;
	v15 =	vmul.f32 v15, v3  }
0x5f: {  	v8 =	vsel vm14, v13, v8;
	v9 =	vmax.f32 v9, v25;
	v13 =	vsel vm15, v7, v14  }
0x60: {  	v30 =	vld [tilespmem:s29+$0xFFFFFFE0];
	v7 =	vsel vm15, v14, v7;
	v14 =	vsel vm6, v6, v13;
	v15 =	vadd.f32 v15, v16  }
0x61: {  	v17 =	vadd.f32 v17, v18;
	v18 =	vmul.f32 v29, v1;
	v5 =	vsel vm7, v14, v5;
	v14 =	vld [tilespmem:s28+$0xFFFFFFD0]  }
0x62: {  	v6 =	vsel vm6, v13, v6;
	v13 =	vor.u32 $0x4, v4;
	vm8 =	vgt.f32 v15, v12  }
0x63: {  	vm9 =	vgt.f32 v15, v11;
	vm10 =	vgt.f32 v15, v10;
	v16 =	vmin.f32 v12, v15  }
0x64: {  	v32 =	vld [tilespmem:s30+$0xFFFFFFF0];
	vm11 =	vgt.f32 v15, v9;
	v12 =	vmax.f32 v12, v15;
	v15 =	vmin.f32 v11, v16  }
0x65: {  	v11 =	vmax.f32 v11, v16;
	v16 =	vmul.f32 v30, v2;
	v28 =	vmin.f32 v10, v15  }
0x66: {  	v10 =	vmax.f32 v10, v15;
	v15 =	vsel vm8, v8, v13;
	v14 =	vmul.f32 v14, v3  }
0x67: {  	v8 =	vsel vm8, v13, v8;
	v9 =	vmax.f32 v9, v28;
	v13 =	vsel vm9, v7, v15  }
0x68: {  	v33 =	vld [tilespmem:s29+$0xFFFFFFF0];
	v7 =	vsel vm9, v15, v7;
	v15 =	vsel vm10, v6, v13;
	v14 =	vadd.f32 v14, v17  }
0x69: {  	v16 =	vadd.f32 v16, v18;
	v18 =	vmul.f32 v32, v1;
	v5 =	vsel vm11, v15, v5;
	v15 =	vld [tilespmem:s28+$0xFFFFFFE0]  }
0x6a: {  	v6 =	vsel vm10, v13, v6;
	v13 =	vor.u32 $0x5, v4;
	vm12 =	vgt.f32 v14, v12  }
0x6b: {  	vm13 =	vgt.f32 v14, v11;
	vm14 =	vgt.f32 v14, v10;
	v17 =	vmin.f32 v12, v14  }
0x6c: {  	v35 =	vld [tilespmem:s30+$0x0];
	vm15 =	vgt.f32 v14, v9;
	v12 =	vmax.f32 v12, v14;
	v14 =	vmin.f32 v11, v17  }
0x6d: {  	v11 =	vmax.f32 v11, v17;
	v17 =	vmul.f32 v33, v2;
	v31 =	vmin.f32 v10, v14  }
0x6e: {  	v10 =	vmax.f32 v10, v14;
	v14 =	vsel vm12, v8, v13;
	v15 =	vmul.f32 v15, v3  }
0x6f: {  	v8 =	vsel vm12, v13, v8;
	v9 =	vmax.f32 v9, v31;
	v13 =	vsel vm13, v7, v14  }
0x70: {  	v36 =	vld [tilespmem:s29+$0x0];
	v7 =	vsel vm13, v14, v7;
	v14 =	vsel vm14, v6, v13;
	v15 =	vadd.f32 v15, v16  }
0x71: {  	v17 =	vadd.f32 v17, v18;
	v18 =	vmul.f32 v35, v1;
	v5 =	vsel vm15, v14, v5;
	v14 =	vld [tilespmem:s28+$0xFFFFFFF0]  }
0x72: {  	v6 =	vsel vm14, v13, v6;
	v13 =	vor.u32 $0x6, v4;
	vm6 =	vgt.f32 v15, v12  }
0x73: {  	vm7 =	vgt.f32 v15, v11;
	vm8 =	vgt.f32 v15, v10;
	v16 =	vmin.f32 v12, v15  }
0x74: {  	v38 =	vld [tilespmem:s30+$0x10];
	vm9 =	vgt.f32 v15, v9;
	v12 =	vmax.f32 v12, v15;
	v15 =	vmin.f32 v11, v16  }
0x75: {  	v11 =	vmax.f32 v11, v16;
	v16 =	vmul.f32 v36, v2;
	v34 =	vmin.f32 v10, v15  }
0x76: {  	v10 =	vmax.f32 v10, v15;
	v15 =	vsel vm6, v8, v13;
	v14 =	vmul.f32 v14, v3  }
0x77: {  	v8 =	vsel vm6, v13, v8;
	v9 =	vmax.f32 v9, v34;
	v13 =	vsel vm7, v7, v15  }
0x78: {  	v39 =	vld [tilespmem:s29+$0x10];
	v7 =	vsel vm7, v15, v7;
	v15 =	vsel vm8, v6, v13;
	v14 =	vadd.f32 v14, v17  }
0x79: {  	v16 =	vadd.f32 v16, v18;
	v18 =	vmul.f32 v38, v1;
	v5 =	vsel vm9, v15, v5;
	v15 =	vld [tilespmem:s28+$0x0]  }
0x7a: {  	v6 =	vsel vm8, v13, v6;
	v13 =	vor.u32 $0x7, v4;
	vm10 =	vgt.f32 v14, v12  }
0x7b: {  	vm11 =	vgt.f32 v14, v11;
	vm12 =	vgt.f32 v14, v10;
	v17 =	vmin.f32 v12, v14  }
0x7c: {  	v41 =	vld [tilespmem:s30+$0x20];
	vm13 =	vgt.f32 v14, v9;
	v12 =	vmax.f32 v12, v14;
	v14 =	vmin.f32 v11, v17  }
0x7d: {  	v11 =	vmax.f32 v11, v17;
	v17 =	vmul.f32 v39, v2;
	v37 =	vmin.f32 v10, v14  }
0x7e: {  	v10 =	vmax.f32 v10, v14;
	v14 =	vsel vm10, v8, v13;
	v15 =	vmul.f32 v15, v3  }
0x7f: {  	v8 =	vsel vm10, v13, v8;
	v9 =	vmax.f32 v9, v37;
	v13 =	vsel vm11, v7, v14  }
0x80: {  	v42 =	vld [tilespmem:s29+$0x20];
	v7 =	vsel vm11, v14, v7;
	v14 =	vsel vm12, v6, v13;
	v15 =	vadd.f32 v15, v16  }
0x81: {  	v17 =	vadd.f32 v17, v18;
	v18 =	vmul.f32 v41, v1;
	v5 =	vsel vm13, v14, v5;
	v14 =	vld [tilespmem:s28+$0x10]  }
0x82: {  	v6 =	vsel vm12, v13, v6;
	v13 =	vor.u32 $0x8, v4;
	vm14 =	vgt.f32 v15, v12  }
0x83: {  	vm15 =	vgt.f32 v15, v11;
	vm6 =	vgt.f32 v15, v10;
	v16 =	vmin.f32 v12, v15  }
0x84: {  	v44 =	vld [tilespmem:s30+$0x30];
	vm7 =	vgt.f32 v15, v9;
	v12 =	vmax.f32 v12, v15;
	v15 =	vmin.f32 v11, v16  }
0x85: {  	v11 =	vmax.f32 v11, v16;
	v16 =	vmul.f32 v42, v2;
	v40 =	vmin.f32 v10, v15  }
0x86: {  	v10 =	vmax.f32 v10, v15;
	v15 =	vsel vm14, v8, v13;
	v14 =	vmul.f32 v14, v3  }
0x87: {  	v8 =	vsel vm14, v13, v8;
	v9 =	vmax.f32 v9, v40;
	v13 =	vsel vm15, v7, v15  }
0x88: {  	v45 =	vld [tilespmem:s29+$0x30];
	v7 =	vsel vm15, v15, v7;
	v15 =	vsel vm6, v6, v13;
	v14 =	vadd.f32 v14, v17  }
0x89: {  	v16 =	vadd.f32 v16, v18;
	v18 =	vmul.f32 v44, v1;
	v5 =	vsel vm7, v15, v5;
	v15 =	vld [tilespmem:s28+$0x20]  }
0x8a: {  	v6 =	vsel vm6, v13, v6;
	v13 =	vor.u32 $0x9, v4;
	vm8 =	vgt.f32 v14, v12  }
0x8b: {  	vm9 =	vgt.f32 v14, v11;
	vm10 =	vgt.f32 v14, v10;
	v17 =	vmin.f32 v12, v14  }
0x8c: {  	v47 =	vld [tilespmem:s30+$0x40];
	vm11 =	vgt.f32 v14, v9;
	v12 =	vmax.f32 v12, v14;
	v14 =	vmin.f32 v11, v17  }
0x8d: {  	v11 =	vmax.f32 v11, v17;
	v17 =	vmul.f32 v45, v2;
	v43 =	vmin.f32 v10, v14  }
0x8e: {  	v10 =	vmax.f32 v10, v14;
	v14 =	vsel vm8, v8, v13;
	v15 =	vmul.f32 v15, v3  }
0x8f: {  	v8 =	vsel vm8, v13, v8;
	v9 =	vmax.f32 v9, v43;
	v13 =	vsel vm9, v7, v14  }
0x90: {  	v48 =	vld [tilespmem:s29+$0x40];
	v7 =	vsel vm9, v14, v7;
	v14 =	vsel vm10, v6, v13;
	v15 =	vadd.f32 v15, v16  }
0x91: {  	v17 =	vadd.f32 v17, v18;
	v18 =	vmul.f32 v47, v1;
	v5 =	vsel vm11, v14, v5;
	v14 =	vld [tilespmem:s28+$0x30]  }
0x92: {  	v6 =	vsel vm10, v13, v6;
	v13 =	vor.u32 $0xA, v4;
	vm12 =	vgt.f32 v15, v12  }
0x93: {  	vm13 =	vgt.f32 v15, v11;
	vm14 =	vgt.f32 v15, v10;
	v16 =	vmin.f32 v12, v15  }
0x94: {  	v50 =	vld [tilespmem:s30+$0x50];
	vm15 =	vgt.f32 v15, v9;
	v12 =	vmax.f32 v12, v15;
	v15 =	vmin.f32 v11, v16  }
0x95: {  	v11 =	vmax.f32 v11, v16;
	v16 =	vmul.f32 v48, v2;
	v46 =	vmin.f32 v10, v15  }
0x96: {  	v10 =	vmax.f32 v10, v15;
	v15 =	vsel vm12, v8, v13;
	v14 =	vmul.f32 v14, v3  }
0x97: {  	v8 =	vsel vm12, v13, v8;
	v9 =	vmax.f32 v9, v46;
	v13 =	vsel vm13, v7, v15  }
0x98: {  	v51 =	vld [tilespmem:s29+$0x50];
	v7 =	vsel vm13, v15, v7;
	v15 =	vsel vm14, v6, v13;
	v14 =	vadd.f32 v14, v17  }
0x99: {  	v16 =	vadd.f32 v16, v18;
	v18 =	vmul.f32 v50, v1;
	v5 =	vsel vm15, v15, v5;
	v15 =	vld [tilespmem:s28+$0x40]  }
0x9a: {  	v6 =	vsel vm14, v13, v6;
	v13 =	vor.u32 $0xB, v4;
	vm6 =	vgt.f32 v14, v12  }
0x9b: {  	vm7 =	vgt.f32 v14, v11;
	vm8 =	vgt.f32 v14, v10;
	v17 =	vmin.f32 v12, v14  }
0x9c: {  	v53 =	vld [tilespmem:s29+$0x60];
	vm9 =	vgt.f32 v14, v9;
	v12 =	vmax.f32 v12, v14;
	v14 =	vmin.f32 v11, v17  }
0x9d: {  	v11 =	vmax.f32 v11, v17;
	v17 =	vmul.f32 v51, v2;
	v49 =	vmin.f32 v10, v14  }
0x9e: {  	v10 =	vmax.f32 v10, v14;
	v14 =	vsel vm6, v8, v13;
	v15 =	vmul.f32 v15, v3  }
0x9f: {  	v8 =	vsel vm6, v13, v8;
	v9 =	vmax.f32 v9, v49;
	v13 =	vsel vm7, v7, v14  }
0xa0: {  	v7 =	vsel vm7, v14, v7;
	v14 =	vsel vm8, v6, v13;
	v15 =	vadd.f32 v15, v16  }
0xa1: {  	v17 =	vadd.f32 v17, v18;
	v18 =	vmul.f32 v53, v2;
	v5 =	vsel vm9, v14, v5;
	v14 =	vld [tilespmem:s28+$0x50]  }
0xa2: {  	v61 =	vld [tilespmem:s29+$0x70];
	v6 =	vsel vm8, v13, v6;
	v13 =	vor.u32 $0xC, v4;
	vm10 =	vgt.f32 v15, v12  }
0xa3: {  	vm11 =	vgt.f32 v15, v11;
	vm12 =	vgt.f32 v15, v10;
	v16 =	vmin.f32 v12, v15  }
0xa4: {  	vm13 =	vgt.f32 v15, v9;
	v12 =	vmax.f32 v12, v15;
	v15 =	vmin.f32 v11, v16  }
0xa5: {  	v11 =	vmax.f32 v11, v16;
	v52 =	vmin.f32 v10, v15;
	v10 =	vmax.f32 v10, v15;
	v15 =	vld [tilespmem:s30+$0x60]  }
0xa6: {  	v19 =	vsel vm10, v8, v13;
	v8 =	vsel vm10, v13, v8;
	v14 =	vmul.f32 v14, v3  }
0xa7: {  	v16 =	vmul.f32 v61, v2;
	v13 =	vsel vm11, v7, v19;
	v7 =	vsel vm11, v19, v7  }
0xa8: {  	v9 =	vmax.f32 v9, v52;
	v54 =	vsel vm12, v6, v13;
	v14 =	vadd.f32 v14, v17  }
0xa9: {  	v6 =	vsel vm12, v13, v6;
	v13 =	vor.u32 $0xD, v4;
	v5 =	vsel vm13, v54, v5  }
0xaa: {  	vm14 =	vgt.f32 v14, v12;
	vm15 =	vgt.f32 v14, v11;
	v15 =	vmul.f32 v15, v1  }
0xab: {  	vm6 =	vgt.f32 v14, v10;
	v56 =	vmin.f32 v12, v14;
	vm7 =	vgt.f32 v14, v9  }
0xac: {  	v12 =	vmax.f32 v12, v14;
	v14 =	vmin.f32 v11, v56;
	v15 =	vadd.f32 v18, v15  }
0xad: {  	v58 =	vmin.f32 v10, v14;
	v10 =	vmax.f32 v10, v14;
	v14 =	vsel vm14, v8, v13  }
0xae: {  	v59 =	vld [tilespmem:s30+$0x70];
	v11 =	vmax.f32 v11, v56;
	v8 =	vsel vm14, v13, v8;
	v60 =	vsel vm15, v7, v14  }
0xaf: {  	v9 =	vmax.f32 v9, v58;
	v15 =	vadd.f32 v57, v15;
	v13 =	vsel vm6, v6, v60  }
0xb0: {  	v7 =	vsel vm15, v14, v7;
	v6 =	vsel vm6, v60, v6;
	v5 =	vsel vm7, v13, v5;
	v13 =	vld [tilespmem:s28+$0x70]  }
0xb1: {  	vm8 =	vgt.f32 v15, v12;
	vm9 =	vgt.f32 v15, v11;
	vm10 =	vgt.f32 v15, v10  }
0xb2: {  	v14 =	vmin.f32 v12, v15;
	vm11 =	vgt.f32 v15, v9;
	v12 =	vmax.f32 v12, v15  }
0xb3: {  	v15 =	vmin.f32 v11, v14;
	v11 =	vmax.f32 v11, v14;
	v14 =	vmul.f32 v59, v1  }
0xb4: {  	v62 =	vmin.f32 v10, v15;
	v10 =	vmax.f32 v10, v15;
	v15 =	vor.u32 $0xE, v4  }
0xb5: {  	v14 =	vadd.f32 v16, v14;
	v63 =	vsel vm8, v8, v15;
	v13 =	vmul.f32 v13, v3  }
0xb6: {  	v4 =	vor.u32 $0xF, v4;
	v8 =	vsel vm8, v15, v8;
	v15 =	vsel vm9, v7, v63  }
0xb7: {  	v9 =	vmax.f32 v9, v62;
	v13 =	vadd.f32 v13, v14;
	v14 =	vsel vm10, v6, v15  }
0xb8: {  	v7 =	vsel vm9, v63, v7;
	v6 =	vsel vm10, v15, v6;
	v5 =	vsel vm11, v14, v5  }
0xb9: {  	p0 =	sne.s32 s26, $0x3F0;
	vm12 =	vgt.f32 v13, v12;
	vm13 =	vgt.f32 v13, v11;
	vm14 =	vgt.f32 v13, v10  }
.Ltmp0:
0xba: {  	vm15 =	vgt.f32 v13, v9;
	v14 =	vmin.f32 v12, v13;
	v12 =	vmax.f32 v12, v13;
	(pc) =	sbr.rel @p0 .LBB2_3-.Ltmp0, $4  }
0xbb: {  	v13 =	vmin.f32 v11, v14;
	v11 =	vmax.f32 v11, v14;
	v14 =	vsel vm12, v8, v4  }
0xbc: {  	v15 =	vmin.f32 v10, v13;
	v10 =	vmax.f32 v10, v13;
	v13 =	vsel vm13, v7, v14  }
0xbd: {  	s26 =	sadd.s32 $0x10, s26;
	v8 =	vsel vm12, v4, v8;
	v7 =	vsel vm13, v14, v7;
	v4 =	vsel vm14, v6, v13  }
0xbe: {  	s29 =	sadd.s32 $0x100, s29;
	s30 =	sadd.s32 $0x100, s30;
	s28 =	sadd.s32 $0x100, s28;
	v9 =	vmax.f32 v9, v15;
	v6 =	vsel vm14, v13, v6;
	v5 =	vsel vm15, v4, v5  }
0xbf: {  	_ =	sdelay $0x1  }
0xc0: {  	s26 =	smul.u32 $0xC0, s25;
	_ =	sdelay $0x1  }
0xc1: {  	v1 =	vld.idx.msk [tilespmem:v8+s20+$0x0], $0xffff;
	v3 =	vor.u32 $0x1, v0;
	v2 =	vadd.s32 s26, v0  }
0xc2: {  	v4 =	vld.idx.msk [tilespmem:v8+s21+$0x0], $0xffff;
	v10 =	vor.u32 $0x2, v0;
	v9 =	vadd.s32 s26, v3  }
0xc3: {  	v55 =	vld.idx.msk [tilespmem:v8+s22+$0x0], $0xffff;
	v11 =	vadd.s32 s26, v10;
	_ =	sdelay $0x2  }
0xc4: {  	[tilespmem:v2+s23+$0x0] =	vst.idx.msk $0xffff, v1  }
0xc5: {  	[tilespmem:v9+s23+$0x0] =	vst.idx.msk $0xffff, v4  }
0xc6: {  	s28 =	sor.u32 $0x3, s26;
	[tilespmem:v11+s23+$0x0] =	vst.idx.msk $0xffff, v55  }
0xc7: {  	v2 =	vadd.s32 s28, v0;
	v1 =	vld.idx.msk [tilespmem:v7+s20+$0x0], $0xffff  }
0xc8: {  	v56 =	vadd.s32 s28, v3;
	v4 =	vld.idx.msk [tilespmem:v7+s21+$0x0], $0xffff  }
0xc9: {  	v58 =	vadd.s32 s28, v10;
	v57 =	vld.idx.msk [tilespmem:v7+s22+$0x0], $0xffff;
	_ =	sdelay $0x2  }
0xca: {  	[tilespmem:v2+s23+$0x0] =	vst.idx.msk $0xffff, v1  }
0xcb: {  	[tilespmem:v56+s23+$0x0] =	vst.idx.msk $0xffff, v4  }
0xcc: {  	s31 =	sor.u32 $0x6, s26;
	[tilespmem:v58+s23+$0x0] =	vst.idx.msk $0xffff, v57  }
0xcd: {  	v2 =	vadd.s32 s31, v0;
	v1 =	vld.idx.msk [tilespmem:v6+s20+$0x0], $0xffff  }
0xce: {  	v59 =	vadd.s32 s31, v3;
	v4 =	vld.idx.msk [tilespmem:v6+s21+$0x0], $0xffff  }
0xcf: {  	v61 =	vadd.s32 s31, v10;
	v60 =	vld.idx.msk [tilespmem:v6+s22+$0x0], $0xffff;
	_ =	sdelay $0x2  }
0xd0: {  	[tilespmem:v2+s23+$0x0] =	vst.idx.msk $0xffff, v1  }
0xd1: {  	[tilespmem:v59+s23+$0x0] =	vst.idx.msk $0xffff, v4  }
0xd2: {  	s26 =	sor.u32 $0x9, s26;
	[tilespmem:v61+s23+$0x0] =	vst.idx.msk $0xffff, v60  }
0xd3: {  	v2 =	vadd.s32 s26, v0;
	v1 =	vld.idx.msk [tilespmem:v5+s20+$0x0], $0xffff  }
0xd4: {  	s25 =	sadd.s32 $0x1, s25;
	v3 =	vadd.s32 s26, v3;
	v4 =	vld.idx.msk [tilespmem:v5+s21+$0x0], $0xffff  }
0xd5: {  	p0 =	sne.s32 s25, $0x34;
	v63 =	vadd.s32 s26, v10;
	v62 =	vld.idx.msk [tilespmem:v5+s22+$0x0], $0xffff  }
.Ltmp1:
0xd6: {  	_ = 	snop;
	(pc) =	sbr.rel @p0 .LBB2_2-.Ltmp1, $4  }
0xd7: {  	_ = 	snop  }
0xd8: {  	[tilespmem:v2+s23+$0x0] =	vst.idx.msk $0xffff, v1  }
0xd9: {  	[tilespmem:v3+s23+$0x0] =	vst.idx.msk $0xffff, v4  }
0xda: {  	[tilespmem:v63+s23+$0x0] =	vst.idx.msk $0xffff, v62  }
0xdb: {  	s24 =	sadd.s32 $0x1, s24  }
0xdc: {  	p0 =	sne.s32 s24, s13  }
.Ltmp2:
0xdd: {  	_ = 	snop;
	(pc) =	sbr.rel @p0 .LBB2_1-.Ltmp2, $4  }
0xde: {  	[hbm4b:s12+s2] =	stream.linear.scatter [tilespmem:s23], [sflag:$0x1], $0x2700, $0x38;
	[tilespmem:$0xFD80] =	vst v63  }
0xdf: {  	_ =	swait.ge [sflag:s14], $0x2700  }
0xe0: {  	[sflag:s14] =	ssyncset.done $0x0  }
0xe1: {  	[sflag:s14] =	ssyncadd.s32 $0xFFFFD900  }
0xe2: {  	_ =	sfence.sel $0x180000  }
0xe3: {  	[bflag:$0x0] =	sbarrier.arrive $0xFFFF  }
0xe4: {  	p0 =	sne.s32 s1, $0x0;
	_ =	strace $0x90000047  }
0xe5: {  	s0 =	sadd.s32 @!p0 $0x100000, s0;
	[bflag:$0x2] =	sbarrier.arrive $0xFFFF  }
0xe6: {  	[sflag:s0] =	ssyncadd.tile.s32 @!p0 $0x1;
	_ =	shalt  }
.Lfunc_end2:
_tile_overlayer_lowered:
.L_overlay_start_2:
0xe7: {  	(tag) =	ssettag $0x2  }
0xe8: {  	s0 =	rddreg [dreg:$0x0];
	s2 =	stileid.u32  }
0xe9: {  	s1 =	rddreg [dreg:$0x1];
	p0 =	sne.s32 s2, $0x0  }
0xea: {  	s3 =	rddreg [dreg:$0x2];
	[bflag:$0x3] =	sbarrier.arrive $0xFFFF;
	s2 =	simm.s32 @!p0 $0x1C01  }
0xeb: {  	[timem:s3], [sflag:s2] =	dma.local @!p0 [hbm:s0], s1  }
0xec: {  	s0 =	simm.s32 @!p0 $0x1  }
0xed: {  	_ =	swait.ge @!p0 [sflag:s0], s1  }
0xee: {  	s1 =	ssub.s32 @!p0 $0x0, s1;
	[sflag:s0] =	ssyncset.done @!p0 $0x0  }
0xef: {  	[sflag:s0] =	ssyncadd.s32 @!p0 s1  }
0xf0: {  	[bflag:$0x3] =	sbarrier.arrive $0xFFFF  }
0xf1: {  	_ =	shalt  }

</sc_bundles>
